<compile_context>
chip_gen: v7x
topology: tpu7x:2x2x1
jax: 0.10.2.dev20260603
libtpu: 0.0.44.dev20260713+nightly
codegen_flags: <defaults>
</compile_context>

<pallas_src>
import functools

import jax
import jax.numpy as jnp
from jax.experimental import pallas as pl
from jax.experimental.pallas import tpu as pltpu

B, N, G, K = 8, 8192, 512, 32
R, C = 8, 1024


def _fps_body(px_ref, py_ref, pz_ref, center_ref):
    px = px_ref[...]
    py = py_ref[...]
    pz = pz_ref[...]
    ii = (jax.lax.broadcasted_iota(jnp.int32, (B, R, C), 1) * C
          + jax.lax.broadcasted_iota(jnp.int32, (B, R, C), 2))

    lane = jax.lax.broadcasted_iota(jnp.int32, (1, 1, 3), 2)
    e0 = (lane == 0).astype(jnp.float32)
    e1 = (lane == 1).astype(jnp.float32)
    e2 = (lane == 2).astype(jnp.float32)

    lx0 = px[:, 0:1, 0:1]
    ly0 = py[:, 0:1, 0:1]
    lz0 = pz[:, 0:1, 0:1]
    center_ref[:, 0:1, :] = lx0 * e0 + ly0 * e1 + lz0 * e2

    def body(i, carry):
        dists, lx, ly, lz = carry
        dx = px - lx
        dy = py - ly
        dz = pz - lz
        d = (dx * dx + dy * dy) + dz * dz
        dists = jnp.minimum(dists, d)
        m = jnp.max(dists, axis=(1, 2), keepdims=True)
        cand = jnp.where(dists == m, ii, N)
        nxt = jnp.min(cand, axis=(1, 2), keepdims=True)
        onehot = ii == nxt
        zero = jnp.zeros((), jnp.float32)
        nlx = jnp.sum(jnp.where(onehot, px, zero), axis=(1, 2), keepdims=True)
        nly = jnp.sum(jnp.where(onehot, py, zero), axis=(1, 2), keepdims=True)
        nlz = jnp.sum(jnp.where(onehot, pz, zero), axis=(1, 2), keepdims=True)
        center_ref[:, pl.ds(i, 1), :] = nlx * e0 + nly * e1 + nlz * e2
        return dists, nlx, nly, nlz

    init = (jnp.full((B, R, C), jnp.inf, jnp.float32), lx0, ly0, lz0)
    jax.lax.fori_loop(1, G, body, init)


def _fps_centers(xyz):
    px = xyz[:, :, 0].reshape(B, R, C)
    py = xyz[:, :, 1].reshape(B, R, C)
    pz = xyz[:, :, 2].reshape(B, R, C)
    return pl.pallas_call(
        _fps_body,
        out_shape=jax.ShapeDtypeStruct((B, G, 3), jnp.float32),
    )(px, py, pz)


GT = 8


def _dist_body(cen_ref, xt_ref, d_ref, t_ref):
    xt = xt_ref[0]
    cen = cen_ref[0]
    mm = jax.lax.dot_general(
        cen.astype(jnp.bfloat16), xt.astype(jnp.bfloat16),
        (((1,), (0,)), ((), ())),
        preferred_element_type=jnp.float32)
    cx = cen[:, 0:1]
    cy = cen[:, 1:2]
    cz = cen[:, 2:3]
    s1 = (cx * cx + cy * cy) + cz * cz
    px = xt[0:1, :]
    py = xt[1:2, :]
    pz = xt[2:3, :]
    s2 = (px * px + py * py) + pz * pz
    d = ((-2.0 * mm) + s1) + s2
    d_ref[0] = d
    cm = jnp.min(d.reshape(GT, 32, N // 32), axis=2)
    t_ref[0] = jnp.max(cm, axis=1, keepdims=True)


def _dist_thresh(center, xt):
    return pl.pallas_call(
        _dist_body,
        grid=(B, G // GT),
        in_specs=[
            pl.BlockSpec((1, GT, 3), lambda b, g: (b, g, 0)),
            pl.BlockSpec((1, 3, N), lambda b, g: (b, 0, 0)),
        ],
        out_specs=[
            pl.BlockSpec((1, GT, N), lambda b, g: (b, g, 0)),
            pl.BlockSpec((1, GT, 1), lambda b, g: (b, g, 0)),
        ],
        out_shape=[
            jax.ShapeDtypeStruct((B, G, N), jnp.float32),
            jax.ShapeDtypeStruct((B, G, 1), jnp.float32),
        ],
    )(center, xt)


NW = 32
GPW = (B * G) // NW
BPW = NW // B


def _sc_body(xyz_hbm, col_hbm, cen_hbm, d_hbm, t_hbm, nb_hbm, ft_hbm,
             xyzv, colv, cenv, tv, dbuf, idxbuf, idx32, nbv, ftv,
             kbuf, valbuf):
    from jax.experimental.pallas import tpu_sc as plsc
    w = jax.lax.axis_index("s") * 2 + jax.lax.axis_index("c")
    b = w // BPW
    g0 = (w % BPW) * GPW
    row0 = b * G + g0

    pltpu.sync_copy(xyz_hbm.at[pl.ds(b * (N * 3), N * 3)], xyzv)
    pltpu.sync_copy(col_hbm.at[pl.ds(b * (N * 3), N * 3)], colv)
    pltpu.sync_copy(cen_hbm.at[pl.ds(row0 * 3, GPW * 3)], cenv)
    pltpu.sync_copy(t_hbm.at[pl.ds(row0, GPW)], tv)

    lane = jax.lax.iota(jnp.int32, 16)
    inf16 = (lane * 0).astype(jnp.float32) + jnp.float32(jnp.inf)
    dbuf[pl.ds(N, 16)] = inf16
    consts = []
    for j in range(6):
        q = lane + (j * 16)
        d3 = jax.lax.shift_right_logical(q * 21846, 16)
        m3 = q - d3 * 3
        consts.append((d3, m3))

    def rev(x):
        return jax.lax.rev(x, (0,))

    def sort16(k, v):
        return plsc.sort_key_val(k, v)

    def merge16(ak, av, bk, bv):
        rbk = rev(bk)
        rbv = rev(bv)
        s = ak <= rbk
        mk0 = jnp.minimum(ak, rbk)
        mv0 = jnp.where(s, av, rbv)
        mk1 = jnp.maximum(ak, rbk)
        mv1 = jnp.where(s, rbv, av)
        mk0, mv0 = sort16(mk0, mv0)
        mk1, mv1 = sort16(mk1, mv1)
        return mk0, mv0, mk1, mv1

    def load_sorted32(off):
        i0 = idxbuf[pl.ds(off, 16)]
        i1 = idxbuf[pl.ds(off + 16, 16)]
        k0 = plsc.load_gather(dbuf, [i0])
        k1 = plsc.load_gather(dbuf, [i1])
        k0, i0 = sort16(k0, i0)
        k1, i1 = sort16(k1, i1)
        return merge16(k0, i0, k1, i1)

    def row_body(r, _):
        pltpu.sync_copy(d_hbm.at[pl.ds((row0 + r) * N, N)], dbuf.at[pl.ds(0, N)])
        t16 = plsc.load_gather(tv, [lane * 0 + r])

        def scan_body(i, off):
            base = lane + i * 16
            d16 = dbuf[pl.ds(i * 16, 16)]
            msk = d16 <= t16
            plsc.store_compressed(idxbuf.at[pl.ds(off, 16)], base, mask=msk)
            cnt = plsc.all_reduce_population_count(msk)
            return off + cnt[0]

        m_cnt = jax.lax.fori_loop(0, N // 16, scan_body, 0)
        sent = lane * 0 + N
        idxbuf[pl.ds(m_cnt, 16)] = sent
        idxbuf[pl.ds(m_cnt + 16, 16)] = sent

        acc = load_sorted32(0)
        nblk = jax.lax.shift_right_logical(m_cnt + 31, 5)

        def sel_body(blk, acc):
            a0k, a0v, a1k, a1v = acc
            n0k, n0v, n1k, n1v = load_sorted32(blk * 32)
            rk1 = rev(n1k)
            rv1 = rev(n1v)
            s0 = a0k <= rk1
            lo0k = jnp.minimum(a0k, rk1)
            lo0v = jnp.where(s0, a0v, rv1)
            rk0 = rev(n0k)
            rv0 = rev(n0v)
            s1 = a1k <= rk0
            lo1k = jnp.minimum(a1k, rk0)
            lo1v = jnp.where(s1, a1v, rv0)
            lo0k, lo0v = sort16(lo0k, lo0v)
            lo1k, lo1v = sort16(lo1k, lo1v)
            return merge16(lo0k, lo0v, lo1k, lo1v)

        acc = jax.lax.fori_loop(1, nblk, sel_body, acc)
        k0a, v0a, k1a, v1a = acc
        idx32[pl.ds(0, 16)] = v0a
        idx32[pl.ds(16, 16)] = v1a

        kbuf[pl.ds(0, 16)] = k0a
        kbuf[pl.ds(16, 16)] = k1a
        prev0 = plsc.load_gather(kbuf, [jnp.maximum(lane - 1, 0)])
        prev1 = plsc.load_gather(kbuf, [lane + 15])
        tie_adj = jnp.any((prev0 == k0a) & (lane > 0)) | jnp.any(prev1 == k1a)
        k31 = jnp.max(k1a)
        nv = jax.lax.shift_right_logical(m_cnt + 15, 4)

        def cnt_body(v, c):
            iv = idxbuf[pl.ds(v * 16, 16)]
            dv = plsc.load_gather(dbuf, [iv])
            return c + plsc.all_reduce_population_count(dv <= k31)[0]

        c_le = jax.lax.fori_loop(0, nv, cnt_body, 0)

        @pl.when(tie_adj | (c_le > K))
        def _slow():
            def fill(v, _):
                iv = idxbuf[pl.ds(v * 16, 16)]
                valbuf[pl.ds(v * 16, 16)] = plsc.load_gather(dbuf, [iv])
                return 0

            jax.lax.fori_loop(0, nv, fill, 0)

            def round_body(j, _):
                def mn(v, m):
                    return jnp.minimum(m, valbuf[pl.ds(v * 16, 16)])

                m16 = jax.lax.fori_loop(0, nv, mn, inf16)
                ms = jnp.min(m16)

                def fp(v, p):
                    msk = valbuf[pl.ds(v * 16, 16)] == ms
                    hit = jnp.any(msk)
                    f = plsc.all_reduce_ffs(msk)[0]
                    return jnp.where(hit, jnp.minimum(p, v * 16 + f), p)

                p = jax.lax.fori_loop(0, nv, fp, jnp.int32(1 << 30))
                pspl = lane * 0 + p
                iwin = plsc.load_gather(idxbuf, [pspl])
                plsc.store_scatter(idx32, [lane * 0 + j], iwin)
                plsc.store_scatter(valbuf, [pspl], inf16)
                return 0

            jax.lax.fori_loop(0, K, round_body, 0)

        for j in range(6):
            d3, m3 = consts[j]
            pt = plsc.load_gather(idx32, [d3])
            elem = pt * 3 + m3
            xv = plsc.load_gather(xyzv, [elem])
            cv = plsc.load_gather(cenv, [r * 3 + m3])
            nb = xv - cv
            nbv[pl.ds(r * 96 + j * 16, 16)] = nb
            fq = r * 192 + d3 * 6 + m3
            plsc.store_scatter(ftv, [fq], nb)
            cl = plsc.load_gather(colv, [elem])
            plsc.store_scatter(ftv, [fq + 3], cl)
        return 0

    jax.lax.fori_loop(0, GPW, row_body, 0)

    pltpu.sync_copy(nbv, nb_hbm.at[pl.ds(row0 * 96, GPW * 96)])
    pltpu.sync_copy(ftv, ft_hbm.at[pl.ds(row0 * 192, GPW * 192)])


def _sc_select_gather(xyz, color, center, d, t):
    from jax.experimental.pallas import tpu_sc as plsc
    mesh = plsc.VectorSubcoreMesh(core_axis_name="c", subcore_axis_name="s")
    f = functools.partial(
        pl.kernel,
        out_type=[
            jax.ShapeDtypeStruct((B * G * K * 3,), jnp.float32),
            jax.ShapeDtypeStruct((B * G * K * 6,), jnp.float32),
        ],
        mesh=mesh,
        compiler_params=pltpu.CompilerParams(needs_layout_passes=False),
        scratch_types=[
            pltpu.VMEM((N * 3,), jnp.float32),
            pltpu.VMEM((N * 3,), jnp.float32),
            pltpu.VMEM((GPW * 3,), jnp.float32),
            pltpu.VMEM((GPW,), jnp.float32),
            pltpu.VMEM((N + 16,), jnp.float32),
            pltpu.VMEM((N + 48,), jnp.int32),
            pltpu.VMEM((32,), jnp.int32),
            pltpu.VMEM((GPW * 96,), jnp.float32),
            pltpu.VMEM((GPW * 192,), jnp.float32),
            pltpu.VMEM((32,), jnp.float32),
            pltpu.VMEM((N + 16,), jnp.float32),
        ],
    )(_sc_body)
    nb, ft = f(xyz.reshape(-1), color.reshape(-1), center.reshape(-1),
               d.reshape(-1), t.reshape(-1))
    return nb.reshape(B, G, K, 3), ft.reshape(B, G, K, 6)


def kernel(xyz, color):
    center = _fps_centers(xyz)
    d, t = _dist_thresh(center, jnp.swapaxes(xyz, 1, 2))
    neighborhood, features = _sc_select_gather(xyz, color, center, d, t)
    return (neighborhood, center, features)

# --- scband reference (transcript-rebuilt; emitter-appended) ---
"""Pipeline reference for scband-group-65000035057784 (READ-ONLY COPY).

The authoritative reference and input builder live on the scoring server;
editing this copy changes nothing except your own understanding.
"""

import jax, jax.numpy as jnp
import numpy as np

B, N, NUM_GROUP, GROUP_SIZE = 8, 8192, 512, 32


def setup_inputs(seed: int = 0) -> dict:
    key = jax.random.key(seed)
    k1, k2 = jax.random.split(key)
    xyz = jax.random.normal(k1, (B, N, 3), dtype=jnp.float32)
    color = jax.random.uniform(k2, (B, N, 3), dtype=jnp.float32)
    return {"xyz": xyz, "color": color}


def _fps_indices(pts, K):
    # deterministic farthest point sampling starting at index 0
    n = pts.shape[0]

    def step(carry, _):
        dists, last = carry
        d = jnp.sum((pts - pts[last]) ** 2, axis=-1)
        dists = jnp.minimum(dists, d)
        nxt = jnp.argmax(dists).astype(jnp.int32)
        return (dists, nxt), nxt

    init = (jnp.full((n,), jnp.inf, dtype=pts.dtype), jnp.int32(0))
    _, rest = jax.lax.scan(step, init, None, length=K - 1)
    return jnp.concatenate([jnp.zeros((1,), jnp.int32), rest])


def _square_distance(src, dst):
    dist = -2.0 * jnp.matmul(src, jnp.swapaxes(dst, 1, 2))
    dist = dist + jnp.sum(src ** 2, axis=-1)[:, :, None]
    dist = dist + jnp.sum(dst ** 2, axis=-1)[:, None, :]
    return dist


def reference(xyz, color):
    # center = fps(xyz, num_group)  (use_random=False -> deterministic start at 0)
    fps_idx = jax.vmap(lambda p: _fps_indices(p, NUM_GROUP))(xyz)  # [B, G]
    center = jnp.take_along_axis(xyz, fps_idx[:, :, None], axis=1)  # [B, G, 3]
    # knn_point(group_size, xyz, center)
    sqrdists = _square_distance(center, xyz)  # [B, G, N]
    _, idx = jax.lax.top_k(-sqrdists, GROUP_SIZE)  # smallest-k distances -> [B, G, K]
    gather = jax.vmap(lambda pts, i: pts[i])
    neighborhood = gather(xyz, idx)  # [B, G, K, 3]
    neighborhood_color = gather(color, idx)  # [B, G, K, 3]
    neighborhood = neighborhood - center[:, :, None, :]
    features = jnp.concatenate([neighborhood, neighborhood_color], axis=-1)  # [B, G, K, 6]
    return (neighborhood, center, features)

if __name__ == "__main__":
    import jax
    _d = setup_inputs()
    print(jax.jit(kernel)(*tuple(_d.values())))

</pallas_src>

<mosaic_0001>
#map = affine_map<(d0, d1) -> (0)>
module attributes {stable_mosaic.version = 14 : i64} {
  func.func @_sc_body(%arg0: i32, %arg1: i32, %arg2: memref<196608xf32, #tpu.memory_space<hbm>>, %arg3: memref<196608xf32, #tpu.memory_space<hbm>>, %arg4: memref<12288xf32, #tpu.memory_space<hbm>>, %arg5: memref<33554432xf32, #tpu.memory_space<hbm>>, %arg6: memref<4096xf32, #tpu.memory_space<hbm>>, %arg7: memref<393216xf32, #tpu.memory_space<hbm>>, %arg8: memref<786432xf32, #tpu.memory_space<hbm>>, %arg9: memref<24576xf32, #tpu.memory_space<vmem>>, %arg10: memref<24576xf32, #tpu.memory_space<vmem>>, %arg11: memref<384xf32, #tpu.memory_space<vmem>>, %arg12: memref<128xf32, #tpu.memory_space<vmem>>, %arg13: memref<8208xf32, #tpu.memory_space<vmem>>, %arg14: memref<8240xi32, #tpu.memory_space<vmem>>, %arg15: memref<32xi32, #tpu.memory_space<vmem>>, %arg16: memref<12288xf32, #tpu.memory_space<vmem>>, %arg17: memref<24576xf32, #tpu.memory_space<vmem>>, %arg18: memref<32xf32, #tpu.memory_space<vmem>>, %arg19: memref<8208xf32, #tpu.memory_space<vmem>>) attributes {dimension_semantics = [#tpu.dimension_semantics<core_parallel>, #tpu.dimension_semantics<subcore_parallel>], iteration_bounds = array<i64: 2, 16>, scalar_prefetch = 0 : i64, scratch_operands = 11 : i64, tpu.core_type = #tpu.core_type<sc_vector_subcore>, window_params = [{transform_indices = #map}, {transform_indices = #map}, {transform_indices = #map}, {transform_indices = #map}, {transform_indices = #map}, {transform_indices = #map}, {transform_indices = #map}]} {
    %mul3A = arith.constant 2 : i32
    %mul3A_0 = arith.muli %arg1, %mul3A : i32
    %add3A = arith.addi %mul3A_0, %arg0 : i32
    %jit3A = arith.constant 4 : i32
    %div3A = arith.divsi %add3A, %jit3A : i32
    %sign3A = arith.constant 0 : i32
    %sign3A_1 = arith.cmpi sgt, %add3A, %sign3A : i32
    %sign3A_2 = arith.extui %sign3A_1 : i1 to i32
    %sign3A_3 = arith.constant 0 : i32
    %sign3A_4 = arith.cmpi slt, %add3A, %sign3A_3 : i32
    %sign3A_5 = arith.extui %sign3A_4 : i1 to i32
    %sign3A_6 = arith.subi %sign3A_2, %sign3A_5 : i32
    %sign3A_7 = arith.constant 0 : i32
    %sign3A_8 = arith.cmpi sgt, %jit3A, %sign3A_7 : i32
    %sign3A_9 = arith.extui %sign3A_8 : i1 to i32
    %sign3A_10 = arith.constant 0 : i32
    %sign3A_11 = arith.cmpi slt, %jit3A, %sign3A_10 : i32
    %sign3A_12 = arith.extui %sign3A_11 : i1 to i32
    %sign3A_13 = arith.subi %sign3A_9, %sign3A_12 : i32
    %ne3A = arith.cmpi ne, %sign3A_6, %sign3A_13 : i32
    %rem3A = arith.remsi %add3A, %jit3A : i32
    %ne3A_14 = arith.constant 0 : i32
    %ne3A_15 = arith.cmpi ne, %rem3A, %ne3A_14 : i32
    %and3A = arith.andi %ne3A, %ne3A_15 : i1
    %sub3A = arith.constant 1 : i32
    %sub3A_16 = arith.subi %div3A, %sub3A : i32
    %select_n3A = arith.select %and3A, %sub3A_16, %div3A : i32
    %jit3A_17 = arith.constant 4 : i32
    %eq3A = arith.constant 0 : i32
    %eq3A_18 = arith.cmpi eq, %jit3A_17, %eq3A : i32
    %jit3A_19 = arith.constant 1 : i32
    %select_n3A_20 = arith.select %eq3A_18, %jit3A_19, %jit3A_17 : i32
    %rem3A_21 = arith.remsi %add3A, %select_n3A_20 : i32
    %ne3A_22 = arith.constant 0 : i32
    %ne3A_23 = arith.cmpi ne, %rem3A_21, %ne3A_22 : i32
    %lt3A = arith.constant 0 : i32
    %lt3A_24 = arith.cmpi slt, %rem3A_21, %lt3A : i32
    %lt3A_25 = arith.constant 0 : i32
    %lt3A_26 = arith.cmpi slt, %select_n3A_20, %lt3A_25 : i32
    %ne3A_27 = arith.xori %lt3A_24, %lt3A_26 : i1
    %and3A_28 = arith.andi %ne3A_27, %ne3A_23 : i1
    %add3A_29 = arith.addi %rem3A_21, %select_n3A_20 : i32
    %select_n3A_30 = arith.select %and3A_28, %add3A_29, %rem3A_21 : i32
    %mul3A_31 = arith.constant 128 : i32
    %mul3A_32 = arith.muli %select_n3A_30, %mul3A_31 : i32
    %mul3A_33 = arith.constant 512 : i32
    %mul3A_34 = arith.muli %select_n3A, %mul3A_33 : i32
    %add3A_35 = arith.addi %mul3A_34, %mul3A_32 : i32
    %mul3A_36 = arith.constant 24576 : i32
    %mul3A_37 = arith.muli %select_n3A, %mul3A_36 : i32
    "tpu.region"() ({
      %run_scoped3A = tpu.sem_alloc : memref<!tpu.dma_semaphore, #tpu.memory_space<semaphore_mem>>
      %dma_start3A = tpu.memref_slice %arg2[%mul3A_37] : memref<196608xf32, #tpu.memory_space<hbm>> -> memref<24576xf32, #tpu.memory_space<hbm>>
      %dma_start3A_136 = tpu.memref_slice %arg2[%mul3A_37] : memref<196608xf32, #tpu.memory_space<hbm>> -> memref<24576xf32, #tpu.memory_space<hbm>>
      tpu.enqueue_dma source(%dma_start3A_136 : memref<24576xf32, #tpu.memory_space<hbm>>) target(%arg9 : memref<24576xf32, #tpu.memory_space<vmem>>) target_semaphore(%run_scoped3A : memref<!tpu.dma_semaphore, #tpu.memory_space<semaphore_mem>>)
      %dma_wait3A = tpu.memref_slice %arg2[%mul3A_37] : memref<196608xf32, #tpu.memory_space<hbm>> -> memref<24576xf32, #tpu.memory_space<hbm>>
      %dma_wait3A_137 = tpu.memref_slice %arg2[%mul3A_37] : memref<196608xf32, #tpu.memory_space<hbm>> -> memref<24576xf32, #tpu.memory_space<hbm>>
      tpu.wait_dma2 semaphore(%run_scoped3A : memref<!tpu.dma_semaphore, #tpu.memory_space<semaphore_mem>>) src(%dma_wait3A_137 : memref<24576xf32, #tpu.memory_space<hbm>>) dst(%arg9 : memref<24576xf32, #tpu.memory_space<vmem>>)
      tpu.yield
    }) : () -> ()
    %mul3A_38 = arith.constant 24576 : i32
    %mul3A_39 = arith.muli %select_n3A, %mul3A_38 : i32
    "tpu.region"() ({
      %run_scoped3A = tpu.sem_alloc : memref<!tpu.dma_semaphore, #tpu.memory_space<semaphore_mem>>
      %dma_start3A = tpu.memref_slice %arg3[%mul3A_39] : memref<196608xf32, #tpu.memory_space<hbm>> -> memref<24576xf32, #tpu.memory_space<hbm>>
      %dma_start3A_136 = tpu.memref_slice %arg3[%mul3A_39] : memref<196608xf32, #tpu.memory_space<hbm>> -> memref<24576xf32, #tpu.memory_space<hbm>>
      tpu.enqueue_dma source(%dma_start3A_136 : memref<24576xf32, #tpu.memory_space<hbm>>) target(%arg10 : memref<24576xf32, #tpu.memory_space<vmem>>) target_semaphore(%run_scoped3A : memref<!tpu.dma_semaphore, #tpu.memory_space<semaphore_mem>>)
      %dma_wait3A = tpu.memref_slice %arg3[%mul3A_39] : memref<196608xf32, #tpu.memory_space<hbm>> -> memref<24576xf32, #tpu.memory_space<hbm>>
      %dma_wait3A_137 = tpu.memref_slice %arg3[%mul3A_39] : memref<196608xf32, #tpu.memory_space<hbm>> -> memref<24576xf32, #tpu.memory_space<hbm>>
      tpu.wait_dma2 semaphore(%run_scoped3A : memref<!tpu.dma_semaphore, #tpu.memory_space<semaphore_mem>>) src(%dma_wait3A_137 : memref<24576xf32, #tpu.memory_space<hbm>>) dst(%arg10 : memref<24576xf32, #tpu.memory_space<vmem>>)
      tpu.yield
    }) : () -> ()
    %mul3A_40 = arith.constant 3 : i32
    %mul3A_41 = arith.muli %add3A_35, %mul3A_40 : i32
    "tpu.region"() ({
      %run_scoped3A = tpu.sem_alloc : memref<!tpu.dma_semaphore, #tpu.memory_space<semaphore_mem>>
      %dma_start3A = tpu.memref_slice %arg4[%mul3A_41] : memref<12288xf32, #tpu.memory_space<hbm>> -> memref<384xf32, #tpu.memory_space<hbm>>
      %dma_start3A_136 = tpu.memref_slice %arg4[%mul3A_41] : memref<12288xf32, #tpu.memory_space<hbm>> -> memref<384xf32, #tpu.memory_space<hbm>>
      tpu.enqueue_dma source(%dma_start3A_136 : memref<384xf32, #tpu.memory_space<hbm>>) target(%arg11 : memref<384xf32, #tpu.memory_space<vmem>>) target_semaphore(%run_scoped3A : memref<!tpu.dma_semaphore, #tpu.memory_space<semaphore_mem>>)
      %dma_wait3A = tpu.memref_slice %arg4[%mul3A_41] : memref<12288xf32, #tpu.memory_space<hbm>> -> memref<384xf32, #tpu.memory_space<hbm>>
      %dma_wait3A_137 = tpu.memref_slice %arg4[%mul3A_41] : memref<12288xf32, #tpu.memory_space<hbm>> -> memref<384xf32, #tpu.memory_space<hbm>>
      tpu.wait_dma2 semaphore(%run_scoped3A : memref<!tpu.dma_semaphore, #tpu.memory_space<semaphore_mem>>) src(%dma_wait3A_137 : memref<384xf32, #tpu.memory_space<hbm>>) dst(%arg11 : memref<384xf32, #tpu.memory_space<vmem>>)
      tpu.yield
    }) : () -> ()
    "tpu.region"() ({
      %run_scoped3A = tpu.sem_alloc : memref<!tpu.dma_semaphore, #tpu.memory_space<semaphore_mem>>
      %dma_start3A = tpu.memref_slice %arg6[%add3A_35] : memref<4096xf32, #tpu.memory_space<hbm>> -> memref<128xf32, #tpu.memory_space<hbm>>
      %dma_start3A_136 = tpu.memref_slice %arg6[%add3A_35] : memref<4096xf32, #tpu.memory_space<hbm>> -> memref<128xf32, #tpu.memory_space<hbm>>
      tpu.enqueue_dma source(%dma_start3A_136 : memref<128xf32, #tpu.memory_space<hbm>>) target(%arg12 : memref<128xf32, #tpu.memory_space<vmem>>) target_semaphore(%run_scoped3A : memref<!tpu.dma_semaphore, #tpu.memory_space<semaphore_mem>>)
      %dma_wait3A = tpu.memref_slice %arg6[%add3A_35] : memref<4096xf32, #tpu.memory_space<hbm>> -> memref<128xf32, #tpu.memory_space<hbm>>
      %dma_wait3A_137 = tpu.memref_slice %arg6[%add3A_35] : memref<4096xf32, #tpu.memory_space<hbm>> -> memref<128xf32, #tpu.memory_space<hbm>>
      tpu.wait_dma2 semaphore(%run_scoped3A : memref<!tpu.dma_semaphore, #tpu.memory_space<semaphore_mem>>) src(%dma_wait3A_137 : memref<128xf32, #tpu.memory_space<hbm>>) dst(%arg12 : memref<128xf32, #tpu.memory_space<vmem>>)
      tpu.yield
    }) : () -> ()
    %iota3A = tpu.iota {dimensions = array<i32: 0>} : vector<16xi32>
    %mul3A_42 = arith.constant 0 : i32
    %mul3A_43 = vector.broadcast %mul3A_42 : i32 to vector<16xi32>
    %mul3A_44 = arith.muli %iota3A, %mul3A_43 : vector<16xi32>
    %convert_element_type3A = arith.sitofp %mul3A_44 : vector<16xi32> to vector<16xf32>
    %add3A_45 = arith.constant 0x7F800000 : f32
    %add3A_46 = vector.broadcast %add3A_45 : f32 to vector<16xf32>
    %add3A_47 = arith.addf %convert_element_type3A, %add3A_46 : vector<16xf32>
    %swap3A = arith.constant 8192 : index
    %swap3A_48 = tpu.vector_load %arg13[%swap3A] {strides = array<i32>} : memref<8208xf32, #tpu.memory_space<vmem>>, vector<16xf32>,
    tpu.vector_store %arg13[%swap3A], %add3A_47 {strides = array<i32>} : memref<8208xf32, #tpu.memory_space<vmem>>, vector<16xf32>,
    %add3A_49 = arith.constant 0 : i32
    %add3A_50 = vector.broadcast %add3A_49 : i32 to vector<16xi32>
    %add3A_51 = arith.addi %iota3A, %add3A_50 : vector<16xi32>
    %mul3A_52 = arith.constant 21846 : i32
    %mul3A_53 = vector.broadcast %mul3A_52 : i32 to vector<16xi32>
    %mul3A_54 = arith.muli %add3A_51, %mul3A_53 : vector<16xi32>
    %shift_right_logical3A = arith.constant 16 : i32
    %shift_right_logical3A_55 = vector.broadcast %shift_right_logical3A : i32 to vector<16xi32>
    %shift_right_logical3A_56 = arith.shrui %mul3A_54, %shift_right_logical3A_55 : vector<16xi32>
    %mul3A_57 = arith.constant 3 : i32
    %mul3A_58 = vector.broadcast %mul3A_57 : i32 to vector<16xi32>
    %mul3A_59 = arith.muli %shift_right_logical3A_56, %mul3A_58 : vector<16xi32>
    %sub3A_60 = arith.subi %add3A_51, %mul3A_59 : vector<16xi32>
    %add3A_61 = arith.constant 16 : i32
    %add3A_62 = vector.broadcast %add3A_61 : i32 to vector<16xi32>
    %add3A_63 = arith.addi %iota3A, %add3A_62 : vector<16xi32>
    %mul3A_64 = arith.constant 21846 : i32
    %mul3A_65 = vector.broadcast %mul3A_64 : i32 to vector<16xi32>
    %mul3A_66 = arith.muli %add3A_63, %mul3A_65 : vector<16xi32>
    %shift_right_logical3A_67 = arith.constant 16 : i32
    %shift_right_logical3A_68 = vector.broadcast %shift_right_logical3A_67 : i32 to vector<16xi32>
    %shift_right_logical3A_69 = arith.shrui %mul3A_66, %shift_right_logical3A_68 : vector<16xi32>
    %mul3A_70 = arith.constant 3 : i32
    %mul3A_71 = vector.broadcast %mul3A_70 : i32 to vector<16xi32>
    %mul3A_72 = arith.muli %shift_right_logical3A_69, %mul3A_71 : vector<16xi32>
    %sub3A_73 = arith.subi %add3A_63, %mul3A_72 : vector<16xi32>
    %add3A_74 = arith.constant 32 : i32
    %add3A_75 = vector.broadcast %add3A_74 : i32 to vector<16xi32>
    %add3A_76 = arith.addi %iota3A, %add3A_75 : vector<16xi32>
    %mul3A_77 = arith.constant 21846 : i32
    %mul3A_78 = vector.broadcast %mul3A_77 : i32 to vector<16xi32>
    %mul3A_79 = arith.muli %add3A_76, %mul3A_78 : vector<16xi32>
    %shift_right_logical3A_80 = arith.constant 16 : i32
    %shift_right_logical3A_81 = vector.broadcast %shift_right_logical3A_80 : i32 to vector<16xi32>
    %shift_right_logical3A_82 = arith.shrui %mul3A_79, %shift_right_logical3A_81 : vector<16xi32>
    %mul3A_83 = arith.constant 3 : i32
    %mul3A_84 = vector.broadcast %mul3A_83 : i32 to vector<16xi32>
    %mul3A_85 = arith.muli %shift_right_logical3A_82, %mul3A_84 : vector<16xi32>
    %sub3A_86 = arith.subi %add3A_76, %mul3A_85 : vector<16xi32>
    %add3A_87 = arith.constant 48 : i32
    %add3A_88 = vector.broadcast %add3A_87 : i32 to vector<16xi32>
    %add3A_89 = arith.addi %iota3A, %add3A_88 : vector<16xi32>
    %mul3A_90 = arith.constant 21846 : i32
    %mul3A_91 = vector.broadcast %mul3A_90 : i32 to vector<16xi32>
    %mul3A_92 = arith.muli %add3A_89, %mul3A_91 : vector<16xi32>
    %shift_right_logical3A_93 = arith.constant 16 : i32
    %shift_right_logical3A_94 = vector.broadcast %shift_right_logical3A_93 : i32 to vector<16xi32>
    %shift_right_logical3A_95 = arith.shrui %mul3A_92, %shift_right_logical3A_94 : vector<16xi32>
    %mul3A_96 = arith.constant 3 : i32
    %mul3A_97 = vector.broadcast %mul3A_96 : i32 to vector<16xi32>
    %mul3A_98 = arith.muli %shift_right_logical3A_95, %mul3A_97 : vector<16xi32>
    %sub3A_99 = arith.subi %add3A_89, %mul3A_98 : vector<16xi32>
    %add3A_100 = arith.constant 64 : i32
    %add3A_101 = vector.broadcast %add3A_100 : i32 to vector<16xi32>
    %add3A_102 = arith.addi %iota3A, %add3A_101 : vector<16xi32>
    %mul3A_103 = arith.constant 21846 : i32
    %mul3A_104 = vector.broadcast %mul3A_103 : i32 to vector<16xi32>
    %mul3A_105 = arith.muli %add3A_102, %mul3A_104 : vector<16xi32>
    %shift_right_logical3A_106 = arith.constant 16 : i32
    %shift_right_logical3A_107 = vector.broadcast %shift_right_logical3A_106 : i32 to vector<16xi32>
    %shift_right_logical3A_108 = arith.shrui %mul3A_105, %shift_right_logical3A_107 : vector<16xi32>
    %mul3A_109 = arith.constant 3 : i32
    %mul3A_110 = vector.broadcast %mul3A_109 : i32 to vector<16xi32>
    %mul3A_111 = arith.muli %shift_right_logical3A_108, %mul3A_110 : vector<16xi32>
    %sub3A_112 = arith.subi %add3A_102, %mul3A_111 : vector<16xi32>
    %add3A_113 = arith.constant 80 : i32
    %add3A_114 = vector.broadcast %add3A_113 : i32 to vector<16xi32>
    %add3A_115 = arith.addi %iota3A, %add3A_114 : vector<16xi32>
    %mul3A_116 = arith.constant 21846 : i32
    %mul3A_117 = vector.broadcast %mul3A_116 : i32 to vector<16xi32>
    %mul3A_118 = arith.muli %add3A_115, %mul3A_117 : vector<16xi32>
    %shift_right_logical3A_119 = arith.constant 16 : i32
    %shift_right_logical3A_120 = vector.broadcast %shift_right_logical3A_119 : i32 to vector<16xi32>
    %shift_right_logical3A_121 = arith.shrui %mul3A_118, %shift_right_logical3A_120 : vector<16xi32>
    %mul3A_122 = arith.constant 3 : i32
    %mul3A_123 = vector.broadcast %mul3A_122 : i32 to vector<16xi32>
    %mul3A_124 = arith.muli %shift_right_logical3A_121, %mul3A_123 : vector<16xi32>
    %sub3A_125 = arith.subi %add3A_115, %mul3A_124 : vector<16xi32>
    %scan3A = arith.constant 0 : i32
    %scan3A_126 = arith.constant 0 : i32
    %scan3A_127 = arith.constant 128 : i32
    %scan3A_128 = arith.addi %scan3A_126, %scan3A_127 : i32
    %scan3A_129 = arith.constant 1 : i32
    %scan3A_130 = scf.for %scan3A_136 = %scan3A_126 to %scan3A_128 step %scan3A_129 iter_args(%scan3A_137 = %scan3A) -> (i32)  : i32 {
      %add3A_138 = arith.addi %add3A_35, %scan3A_136 : i32
      %mul3A_139 = arith.constant 8192 : i32
      %mul3A_140 = arith.muli %add3A_138, %mul3A_139 : i32
      "tpu.region"() ({
        %run_scoped3A = tpu.sem_alloc : memref<!tpu.dma_semaphore, #tpu.memory_space<semaphore_mem>>
        %dma_start3A = arith.constant 0 : i32
        %dma_start3A_460 = tpu.memref_slice %arg13[%dma_start3A] : memref<8208xf32, #tpu.memory_space<vmem>> -> memref<8192xf32, #tpu.memory_space<vmem>>
        %dma_start3A_461 = tpu.memref_slice %arg5[%mul3A_140] : memref<33554432xf32, #tpu.memory_space<hbm>> -> memref<8192xf32, #tpu.memory_space<hbm>>
        %dma_start3A_462 = arith.constant 0 : i32
        %dma_start3A_463 = tpu.memref_slice %arg13[%dma_start3A_462] : memref<8208xf32, #tpu.memory_space<vmem>> -> memref<8192xf32, #tpu.memory_space<vmem>>
        %dma_start3A_464 = tpu.memref_slice %arg5[%mul3A_140] : memref<33554432xf32, #tpu.memory_space<hbm>> -> memref<8192xf32, #tpu.memory_space<hbm>>
        tpu.enqueue_dma source(%dma_start3A_464 : memref<8192xf32, #tpu.memory_space<hbm>>) target(%dma_start3A_463 : memref<8192xf32, #tpu.memory_space<vmem>>) target_semaphore(%run_scoped3A : memref<!tpu.dma_semaphore, #tpu.memory_space<semaphore_mem>>)
        %dma_wait3A = arith.constant 0 : i32
        %dma_wait3A_465 = tpu.memref_slice %arg13[%dma_wait3A] : memref<8208xf32, #tpu.memory_space<vmem>> -> memref<8192xf32, #tpu.memory_space<vmem>>
        %dma_wait3A_466 = tpu.memref_slice %arg5[%mul3A_140] : memref<33554432xf32, #tpu.memory_space<hbm>> -> memref<8192xf32, #tpu.memory_space<hbm>>
        %dma_wait3A_467 = arith.constant 0 : i32
        %dma_wait3A_468 = tpu.memref_slice %arg13[%dma_wait3A_467] : memref<8208xf32, #tpu.memory_space<vmem>> -> memref<8192xf32, #tpu.memory_space<vmem>>
        %dma_wait3A_469 = tpu.memref_slice %arg5[%mul3A_140] : memref<33554432xf32, #tpu.memory_space<hbm>> -> memref<8192xf32, #tpu.memory_space<hbm>>
        tpu.wait_dma2 semaphore(%run_scoped3A : memref<!tpu.dma_semaphore, #tpu.memory_space<semaphore_mem>>) src(%dma_wait3A_469 : memref<8192xf32, #tpu.memory_space<hbm>>) dst(%dma_wait3A_468 : memref<8192xf32, #tpu.memory_space<vmem>>)
        tpu.yield
      }) : () -> ()
      %mul3A_141 = arith.constant 0 : i32
      %mul3A_142 = vector.broadcast %mul3A_141 : i32 to vector<16xi32>
      %mul3A_143 = arith.muli %iota3A, %mul3A_142 : vector<16xi32>
      %add3A_144 = vector.broadcast %scan3A_136 : i32 to vector<16xi32>
      %add3A_145 = arith.addi %mul3A_143, %add3A_144 : vector<16xi32>
      %gather3A = tpu.vector_load_idx %arg12[%add3A_145] : memref<128xf32, #tpu.memory_space<vmem>>[vector<16xi32>], vector<16xf32>,
      %scan3A_146 = arith.constant 0 : i32
      %scan3A_147 = arith.constant 0 : i32
      %scan3A_148 = arith.constant 512 : i32
      %scan3A_149 = arith.addi %scan3A_147, %scan3A_148 : i32
      %scan3A_150 = arith.constant 1 : i32
      %scan3A_151 = scf.for %scan3A_460 = %scan3A_147 to %scan3A_149 step %scan3A_150 iter_args(%scan3A_461 = %scan3A_146) -> (i32)  : i32 {
        %mul3A_462 = arith.constant 16 : i32
        %mul3A_463 = arith.muli %scan3A_460, %mul3A_462 : i32
        %add3A_464 = vector.broadcast %mul3A_463 : i32 to vector<16xi32>
        %add3A_465 = arith.addi %iota3A, %add3A_464 : vector<16xi32>
        %mul3A_466 = arith.constant 16 : i32
        %mul3A_467 = arith.muli %scan3A_460, %mul3A_466 : i32
        %get3A_468 = arith.index_cast %mul3A_467 : i32 to index
        %get3A_469 = tpu.vector_load %arg13[%get3A_468] {strides = array<i32>} : memref<8208xf32, #tpu.memory_space<vmem>>, vector<16xf32>,
        %le3A_470 = arith.cmpf ole, %get3A_469, %gather3A : vector<16xf32>
        %swap3A_471 = arith.index_cast %scan3A_461 : i32 to index
        %swap3A_472 = tpu.vector_load %arg14[%swap3A_471] masked %le3A_470 {strides = array<i32>} : memref<8240xi32, #tpu.memory_space<vmem>>, vector<16xi32>, vector<16xi1>
        tpu.vector_store %arg14[%swap3A_471], %add3A_465 masked %le3A_470 {strides = array<i32>} : memref<8240xi32, #tpu.memory_space<vmem>>, vector<16xi32>, vector<16xi1>
        %all_reduce_population_count3A = tpu.all_reduce %le3A_470 {dim = 0 : i64, kind = #tpu.reduction_kind<sum>} : vector<16xi1> -> vector<16xi32>
        %slice3A = vector.extract_strided_slice %all_reduce_population_count3A {offsets = [0], sizes = [1], strides = [1]} : vector<16xi32> to vector<1xi32>
        %squeeze3A = vector.extract %slice3A[0] : i32 from vector<1xi32>
        %add3A_473 = arith.addi %scan3A_461, %squeeze3A : i32
        scf.yield %add3A_473 : i32
      }
      %scan3A_152 = arith.constant 512 : i32
      %mul3A_153 = arith.constant 0 : i32
      %mul3A_154 = vector.broadcast %mul3A_153 : i32 to vector<16xi32>
      %mul3A_155 = arith.muli %iota3A, %mul3A_154 : vector<16xi32>
      %add3A_156 = arith.constant 8192 : i32
      %add3A_157 = vector.broadcast %add3A_156 : i32 to vector<16xi32>
      %add3A_158 = arith.addi %mul3A_155, %add3A_157 : vector<16xi32>
      %swap3A_159 = arith.index_cast %scan3A_151 : i32 to index
      %swap3A_160 = tpu.vector_load %arg14[%swap3A_159] {strides = array<i32>} : memref<8240xi32, #tpu.memory_space<vmem>>, vector<16xi32>,
      tpu.vector_store %arg14[%swap3A_159], %add3A_158 {strides = array<i32>} : memref<8240xi32, #tpu.memory_space<vmem>>, vector<16xi32>,
      %add3A_161 = arith.constant 16 : i32
      %add3A_162 = arith.addi %scan3A_151, %add3A_161 : i32
      %swap3A_163 = arith.index_cast %add3A_162 : i32 to index
      %swap3A_164 = tpu.vector_load %arg14[%swap3A_163] {strides = array<i32>} : memref<8240xi32, #tpu.memory_space<vmem>>, vector<16xi32>,
      tpu.vector_store %arg14[%swap3A_163], %add3A_158 {strides = array<i32>} : memref<8240xi32, #tpu.memory_space<vmem>>, vector<16xi32>,
      %get3A = arith.constant 0 : index
      %get3A_165 = tpu.vector_load %arg14[%get3A] {strides = array<i32>} : memref<8240xi32, #tpu.memory_space<vmem>>, vector<16xi32>,
      %get3A_166 = arith.constant 16 : index
      %get3A_167 = tpu.vector_load %arg14[%get3A_166] {strides = array<i32>} : memref<8240xi32, #tpu.memory_space<vmem>>, vector<16xi32>,
      %gather3A_168 = tpu.vector_load_idx %arg13[%get3A_165] : memref<8208xf32, #tpu.memory_space<vmem>>[vector<16xi32>], vector<16xf32>,
      %gather3A_169 = tpu.vector_load_idx %arg13[%get3A_167] : memref<8208xf32, #tpu.memory_space<vmem>>[vector<16xi32>], vector<16xf32>,
      %masked_sort3A = arith.constant dense<true> : vector<16xi1>
      %masked_sort3A_170, %masked_sort3A_171, %masked_sort3A_172 = tpu.sort %gather3A_168, %get3A_165 masked %masked_sort3A : (vector<16xf32>, vector<16xi32>, vector<16xi1>) -> (vector<16xi1>, vector<16xf32>, vector<16xi32>)
      %masked_sort3A_173 = arith.constant dense<true> : vector<16xi1>
      %masked_sort3A_174, %masked_sort3A_175, %masked_sort3A_176 = tpu.sort %gather3A_169, %get3A_167 masked %masked_sort3A_173 : (vector<16xf32>, vector<16xi32>, vector<16xi1>) -> (vector<16xi1>, vector<16xf32>, vector<16xi32>)
      %rev3A = arith.constant 15 : i32
      %rev3A_177 = vector.broadcast %rev3A : i32 to vector<16xi32>
      %rev3A_178 = tpu.iota {dimensions = array<i32: 0>} : vector<16xi32>
      %rev3A_179 = arith.subi %rev3A_177, %rev3A_178 : vector<16xi32>
      %rev3A_180 = tpu.dynamic_gather %masked_sort3A_175[%rev3A_179] in [0] : vector<16xf32>, vector<16xi32> -> vector<16xf32>
      %rev3A_181 = arith.constant 15 : i32
      %rev3A_182 = vector.broadcast %rev3A_181 : i32 to vector<16xi32>
      %rev3A_183 = tpu.iota {dimensions = array<i32: 0>} : vector<16xi32>
      %rev3A_184 = arith.subi %rev3A_182, %rev3A_183 : vector<16xi32>
      %rev3A_185 = tpu.dynamic_gather %masked_sort3A_176[%rev3A_184] in [0] : vector<16xi32>, vector<16xi32> -> vector<16xi32>
      %le3A = arith.cmpf ole, %masked_sort3A_171, %rev3A_180 : vector<16xf32>
      %min3A = arith.minimumf %masked_sort3A_171, %rev3A_180 : vector<16xf32>
      %select_n3A_186 = arith.select %le3A, %masked_sort3A_172, %rev3A_185 : vector<16xi1>, vector<16xi32>
      %max3A = arith.maximumf %masked_sort3A_171, %rev3A_180 : vector<16xf32>
      %select_n3A_187 = arith.select %le3A, %rev3A_185, %masked_sort3A_172 : vector<16xi1>, vector<16xi32>
      %masked_sort3A_188 = arith.constant dense<true> : vector<16xi1>
      %masked_sort3A_189, %masked_sort3A_190, %masked_sort3A_191 = tpu.sort %min3A, %select_n3A_186 masked %masked_sort3A_188 : (vector<16xf32>, vector<16xi32>, vector<16xi1>) -> (vector<16xi1>, vector<16xf32>, vector<16xi32>)
      %masked_sort3A_192 = arith.constant dense<true> : vector<16xi1>
      %masked_sort3A_193, %masked_sort3A_194, %masked_sort3A_195 = tpu.sort %max3A, %select_n3A_187 masked %masked_sort3A_192 : (vector<16xf32>, vector<16xi32>, vector<16xi1>) -> (vector<16xi1>, vector<16xf32>, vector<16xi32>)
      %add3A_196 = arith.constant 31 : i32
      %add3A_197 = arith.addi %scan3A_151, %add3A_196 : i32
      %shift_right_logical3A_198 = arith.constant 5 : i32
      %shift_right_logical3A_199 = arith.shrui %add3A_197, %shift_right_logical3A_198 : i32
      %while3A = arith.constant 1 : i32
      %while3A_200 = arith.subi %shift_right_logical3A_199, %while3A : i32
      %while3A_201 = arith.addi %while3A, %while3A_200 : i32
      %while3A_202 = arith.constant 1 : i32
      %while3A_203 = arith.divsi %while3A_200, %while3A_202 : i32
      %while3A_204 = arith.muli %while3A_203, %while3A_202 : i32
      %while3A_205 = arith.addi %while3A, %while3A_204 : i32
      %while3A_206 = arith.constant 1 : i32
      %while3A_207:4 = scf.for %while3A_460 = %while3A to %while3A_205 step %while3A_206 iter_args(%while3A_461 = %masked_sort3A_190, %while3A_462 = %masked_sort3A_191, %while3A_463 = %masked_sort3A_194, %while3A_464 = %masked_sort3A_195) -> (vector<16xf32>, vector<16xi32>, vector<16xf32>, vector<16xi32>)  : i32 {
        %mul3A_465 = arith.constant 32 : i32
        %mul3A_466 = arith.muli %while3A_460, %mul3A_465 : i32
        %get3A_467 = arith.index_cast %mul3A_466 : i32 to index
        %get3A_468 = tpu.vector_load %arg14[%get3A_467] {strides = array<i32>} : memref<8240xi32, #tpu.memory_space<vmem>>, vector<16xi32>,
        %add3A_469 = arith.constant 16 : i32
        %add3A_470 = arith.addi %mul3A_466, %add3A_469 : i32
        %get3A_471 = arith.index_cast %add3A_470 : i32 to index
        %get3A_472 = tpu.vector_load %arg14[%get3A_471] {strides = array<i32>} : memref<8240xi32, #tpu.memory_space<vmem>>, vector<16xi32>,
        %gather3A_473 = tpu.vector_load_idx %arg13[%get3A_468] : memref<8208xf32, #tpu.memory_space<vmem>>[vector<16xi32>], vector<16xf32>,
        %gather3A_474 = tpu.vector_load_idx %arg13[%get3A_472] : memref<8208xf32, #tpu.memory_space<vmem>>[vector<16xi32>], vector<16xf32>,
        %masked_sort3A_475 = arith.constant dense<true> : vector<16xi1>
        %masked_sort3A_476, %masked_sort3A_477, %masked_sort3A_478 = tpu.sort %gather3A_473, %get3A_468 masked %masked_sort3A_475 : (vector<16xf32>, vector<16xi32>, vector<16xi1>) -> (vector<16xi1>, vector<16xf32>, vector<16xi32>)
        %masked_sort3A_479 = arith.constant dense<true> : vector<16xi1>
        %masked_sort3A_480, %masked_sort3A_481, %masked_sort3A_482 = tpu.sort %gather3A_474, %get3A_472 masked %masked_sort3A_479 : (vector<16xf32>, vector<16xi32>, vector<16xi1>) -> (vector<16xi1>, vector<16xf32>, vector<16xi32>)
        %rev3A_483 = arith.constant 15 : i32
        %rev3A_484 = vector.broadcast %rev3A_483 : i32 to vector<16xi32>
        %rev3A_485 = tpu.iota {dimensions = array<i32: 0>} : vector<16xi32>
        %rev3A_486 = arith.subi %rev3A_484, %rev3A_485 : vector<16xi32>
        %rev3A_487 = tpu.dynamic_gather %masked_sort3A_481[%rev3A_486] in [0] : vector<16xf32>, vector<16xi32> -> vector<16xf32>
        %rev3A_488 = arith.constant 15 : i32
        %rev3A_489 = vector.broadcast %rev3A_488 : i32 to vector<16xi32>
        %rev3A_490 = tpu.iota {dimensions = array<i32: 0>} : vector<16xi32>
        %rev3A_491 = arith.subi %rev3A_489, %rev3A_490 : vector<16xi32>
        %rev3A_492 = tpu.dynamic_gather %masked_sort3A_482[%rev3A_491] in [0] : vector<16xi32>, vector<16xi32> -> vector<16xi32>
        %le3A_493 = arith.cmpf ole, %masked_sort3A_477, %rev3A_487 : vector<16xf32>
        %min3A_494 = arith.minimumf %masked_sort3A_477, %rev3A_487 : vector<16xf32>
        %select_n3A_495 = arith.select %le3A_493, %masked_sort3A_478, %rev3A_492 : vector<16xi1>, vector<16xi32>
        %max3A_496 = arith.maximumf %masked_sort3A_477, %rev3A_487 : vector<16xf32>
        %select_n3A_497 = arith.select %le3A_493, %rev3A_492, %masked_sort3A_478 : vector<16xi1>, vector<16xi32>
        %masked_sort3A_498 = arith.constant dense<true> : vector<16xi1>
        %masked_sort3A_499, %masked_sort3A_500, %masked_sort3A_501 = tpu.sort %min3A_494, %select_n3A_495 masked %masked_sort3A_498 : (vector<16xf32>, vector<16xi32>, vector<16xi1>) -> (vector<16xi1>, vector<16xf32>, vector<16xi32>)
        %masked_sort3A_502 = arith.constant dense<true> : vector<16xi1>
        %masked_sort3A_503, %masked_sort3A_504, %masked_sort3A_505 = tpu.sort %max3A_496, %select_n3A_497 masked %masked_sort3A_502 : (vector<16xf32>, vector<16xi32>, vector<16xi1>) -> (vector<16xi1>, vector<16xf32>, vector<16xi32>)
        %rev3A_506 = arith.constant 15 : i32
        %rev3A_507 = vector.broadcast %rev3A_506 : i32 to vector<16xi32>
        %rev3A_508 = tpu.iota {dimensions = array<i32: 0>} : vector<16xi32>
        %rev3A_509 = arith.subi %rev3A_507, %rev3A_508 : vector<16xi32>
        %rev3A_510 = tpu.dynamic_gather %masked_sort3A_504[%rev3A_509] in [0] : vector<16xf32>, vector<16xi32> -> vector<16xf32>
        %rev3A_511 = arith.constant 15 : i32
        %rev3A_512 = vector.broadcast %rev3A_511 : i32 to vector<16xi32>
        %rev3A_513 = tpu.iota {dimensions = array<i32: 0>} : vector<16xi32>
        %rev3A_514 = arith.subi %rev3A_512, %rev3A_513 : vector<16xi32>
        %rev3A_515 = tpu.dynamic_gather %masked_sort3A_505[%rev3A_514] in [0] : vector<16xi32>, vector<16xi32> -> vector<16xi32>
        %le3A_516 = arith.cmpf ole, %while3A_461, %rev3A_510 : vector<16xf32>
        %min3A_517 = arith.minimumf %while3A_461, %rev3A_510 : vector<16xf32>
        %select_n3A_518 = arith.select %le3A_516, %while3A_462, %rev3A_515 : vector<16xi1>, vector<16xi32>
        %rev3A_519 = arith.constant 15 : i32
        %rev3A_520 = vector.broadcast %rev3A_519 : i32 to vector<16xi32>
        %rev3A_521 = tpu.iota {dimensions = array<i32: 0>} : vector<16xi32>
        %rev3A_522 = arith.subi %rev3A_520, %rev3A_521 : vector<16xi32>
        %rev3A_523 = tpu.dynamic_gather %masked_sort3A_500[%rev3A_522] in [0] : vector<16xf32>, vector<16xi32> -> vector<16xf32>
        %rev3A_524 = arith.constant 15 : i32
        %rev3A_525 = vector.broadcast %rev3A_524 : i32 to vector<16xi32>
        %rev3A_526 = tpu.iota {dimensions = array<i32: 0>} : vector<16xi32>
        %rev3A_527 = arith.subi %rev3A_525, %rev3A_526 : vector<16xi32>
        %rev3A_528 = tpu.dynamic_gather %masked_sort3A_501[%rev3A_527] in [0] : vector<16xi32>, vector<16xi32> -> vector<16xi32>
        %le3A_529 = arith.cmpf ole, %while3A_463, %rev3A_523 : vector<16xf32>
        %min3A_530 = arith.minimumf %while3A_463, %rev3A_523 : vector<16xf32>
        %select_n3A_531 = arith.select %le3A_529, %while3A_464, %rev3A_528 : vector<16xi1>, vector<16xi32>
        %masked_sort3A_532 = arith.constant dense<true> : vector<16xi1>
        %masked_sort3A_533, %masked_sort3A_534, %masked_sort3A_535 = tpu.sort %min3A_517, %select_n3A_518 masked %masked_sort3A_532 : (vector<16xf32>, vector<16xi32>, vector<16xi1>) -> (vector<16xi1>, vector<16xf32>, vector<16xi32>)
        %masked_sort3A_536 = arith.constant dense<true> : vector<16xi1>
        %masked_sort3A_537, %masked_sort3A_538, %masked_sort3A_539 = tpu.sort %min3A_530, %select_n3A_531 masked %masked_sort3A_536 : (vector<16xf32>, vector<16xi32>, vector<16xi1>) -> (vector<16xi1>, vector<16xf32>, vector<16xi32>)
        %rev3A_540 = arith.constant 15 : i32
        %rev3A_541 = vector.broadcast %rev3A_540 : i32 to vector<16xi32>
        %rev3A_542 = tpu.iota {dimensions = array<i32: 0>} : vector<16xi32>
        %rev3A_543 = arith.subi %rev3A_541, %rev3A_542 : vector<16xi32>
        %rev3A_544 = tpu.dynamic_gather %masked_sort3A_538[%rev3A_543] in [0] : vector<16xf32>, vector<16xi32> -> vector<16xf32>
        %rev3A_545 = arith.constant 15 : i32
        %rev3A_546 = vector.broadcast %rev3A_545 : i32 to vector<16xi32>
        %rev3A_547 = tpu.iota {dimensions = array<i32: 0>} : vector<16xi32>
        %rev3A_548 = arith.subi %rev3A_546, %rev3A_547 : vector<16xi32>
        %rev3A_549 = tpu.dynamic_gather %masked_sort3A_539[%rev3A_548] in [0] : vector<16xi32>, vector<16xi32> -> vector<16xi32>
        %le3A_550 = arith.cmpf ole, %masked_sort3A_534, %rev3A_544 : vector<16xf32>
        %min3A_551 = arith.minimumf %masked_sort3A_534, %rev3A_544 : vector<16xf32>
        %select_n3A_552 = arith.select %le3A_550, %masked_sort3A_535, %rev3A_549 : vector<16xi1>, vector<16xi32>
        %max3A_553 = arith.maximumf %masked_sort3A_534, %rev3A_544 : vector<16xf32>
        %select_n3A_554 = arith.select %le3A_550, %rev3A_549, %masked_sort3A_535 : vector<16xi1>, vector<16xi32>
        %masked_sort3A_555 = arith.constant dense<true> : vector<16xi1>
        %masked_sort3A_556, %masked_sort3A_557, %masked_sort3A_558 = tpu.sort %min3A_551, %select_n3A_552 masked %masked_sort3A_555 : (vector<16xf32>, vector<16xi32>, vector<16xi1>) -> (vector<16xi1>, vector<16xf32>, vector<16xi32>)
        %masked_sort3A_559 = arith.constant dense<true> : vector<16xi1>
        %masked_sort3A_560, %masked_sort3A_561, %masked_sort3A_562 = tpu.sort %max3A_553, %select_n3A_554 masked %masked_sort3A_559 : (vector<16xf32>, vector<16xi32>, vector<16xi1>) -> (vector<16xi1>, vector<16xf32>, vector<16xi32>)
        scf.yield %masked_sort3A_557, %masked_sort3A_558, %masked_sort3A_561, %masked_sort3A_562 : vector<16xf32>, vector<16xi32>, vector<16xf32>, vector<16xi32>
      }
      %while3A_208 = arith.constant 1 : i32
      %while3A_209:4 = scf.for %while3A_460 = %while3A_205 to %while3A_201 step %while3A_208 iter_args(%while3A_461 = %while3A_207#0, %while3A_462 = %while3A_207#1, %while3A_463 = %while3A_207#2, %while3A_464 = %while3A_207#3) -> (vector<16xf32>, vector<16xi32>, vector<16xf32>, vector<16xi32>)  : i32 {
        %mul3A_465 = arith.constant 32 : i32
        %mul3A_466 = arith.muli %while3A_460, %mul3A_465 : i32
        %get3A_467 = arith.index_cast %mul3A_466 : i32 to index
        %get3A_468 = tpu.vector_load %arg14[%get3A_467] {strides = array<i32>} : memref<8240xi32, #tpu.memory_space<vmem>>, vector<16xi32>,
        %add3A_469 = arith.constant 16 : i32
        %add3A_470 = arith.addi %mul3A_466, %add3A_469 : i32
        %get3A_471 = arith.index_cast %add3A_470 : i32 to index
        %get3A_472 = tpu.vector_load %arg14[%get3A_471] {strides = array<i32>} : memref<8240xi32, #tpu.memory_space<vmem>>, vector<16xi32>,
        %gather3A_473 = tpu.vector_load_idx %arg13[%get3A_468] : memref<8208xf32, #tpu.memory_space<vmem>>[vector<16xi32>], vector<16xf32>,
        %gather3A_474 = tpu.vector_load_idx %arg13[%get3A_472] : memref<8208xf32, #tpu.memory_space<vmem>>[vector<16xi32>], vector<16xf32>,
        %masked_sort3A_475 = arith.constant dense<true> : vector<16xi1>
        %masked_sort3A_476, %masked_sort3A_477, %masked_sort3A_478 = tpu.sort %gather3A_473, %get3A_468 masked %masked_sort3A_475 : (vector<16xf32>, vector<16xi32>, vector<16xi1>) -> (vector<16xi1>, vector<16xf32>, vector<16xi32>)
        %masked_sort3A_479 = arith.constant dense<true> : vector<16xi1>
        %masked_sort3A_480, %masked_sort3A_481, %masked_sort3A_482 = tpu.sort %gather3A_474, %get3A_472 masked %masked_sort3A_479 : (vector<16xf32>, vector<16xi32>, vector<16xi1>) -> (vector<16xi1>, vector<16xf32>, vector<16xi32>)
        %rev3A_483 = arith.constant 15 : i32
        %rev3A_484 = vector.broadcast %rev3A_483 : i32 to vector<16xi32>
        %rev3A_485 = tpu.iota {dimensions = array<i32: 0>} : vector<16xi32>
        %rev3A_486 = arith.subi %rev3A_484, %rev3A_485 : vector<16xi32>
        %rev3A_487 = tpu.dynamic_gather %masked_sort3A_481[%rev3A_486] in [0] : vector<16xf32>, vector<16xi32> -> vector<16xf32>
        %rev3A_488 = arith.constant 15 : i32
        %rev3A_489 = vector.broadcast %rev3A_488 : i32 to vector<16xi32>
        %rev3A_490 = tpu.iota {dimensions = array<i32: 0>} : vector<16xi32>
        %rev3A_491 = arith.subi %rev3A_489, %rev3A_490 : vector<16xi32>
        %rev3A_492 = tpu.dynamic_gather %masked_sort3A_482[%rev3A_491] in [0] : vector<16xi32>, vector<16xi32> -> vector<16xi32>
        %le3A_493 = arith.cmpf ole, %masked_sort3A_477, %rev3A_487 : vector<16xf32>
        %min3A_494 = arith.minimumf %masked_sort3A_477, %rev3A_487 : vector<16xf32>
        %select_n3A_495 = arith.select %le3A_493, %masked_sort3A_478, %rev3A_492 : vector<16xi1>, vector<16xi32>
        %max3A_496 = arith.maximumf %masked_sort3A_477, %rev3A_487 : vector<16xf32>
        %select_n3A_497 = arith.select %le3A_493, %rev3A_492, %masked_sort3A_478 : vector<16xi1>, vector<16xi32>
        %masked_sort3A_498 = arith.constant dense<true> : vector<16xi1>
        %masked_sort3A_499, %masked_sort3A_500, %masked_sort3A_501 = tpu.sort %min3A_494, %select_n3A_495 masked %masked_sort3A_498 : (vector<16xf32>, vector<16xi32>, vector<16xi1>) -> (vector<16xi1>, vector<16xf32>, vector<16xi32>)
        %masked_sort3A_502 = arith.constant dense<true> : vector<16xi1>
        %masked_sort3A_503, %masked_sort3A_504, %masked_sort3A_505 = tpu.sort %max3A_496, %select_n3A_497 masked %masked_sort3A_502 : (vector<16xf32>, vector<16xi32>, vector<16xi1>) -> (vector<16xi1>, vector<16xf32>, vector<16xi32>)
        %rev3A_506 = arith.constant 15 : i32
        %rev3A_507 = vector.broadcast %rev3A_506 : i32 to vector<16xi32>
        %rev3A_508 = tpu.iota {dimensions = array<i32: 0>} : vector<16xi32>
        %rev3A_509 = arith.subi %rev3A_507, %rev3A_508 : vector<16xi32>
        %rev3A_510 = tpu.dynamic_gather %masked_sort3A_504[%rev3A_509] in [0] : vector<16xf32>, vector<16xi32> -> vector<16xf32>
        %rev3A_511 = arith.constant 15 : i32
        %rev3A_512 = vector.broadcast %rev3A_511 : i32 to vector<16xi32>
        %rev3A_513 = tpu.iota {dimensions = array<i32: 0>} : vector<16xi32>
        %rev3A_514 = arith.subi %rev3A_512, %rev3A_513 : vector<16xi32>
        %rev3A_515 = tpu.dynamic_gather %masked_sort3A_505[%rev3A_514] in [0] : vector<16xi32>, vector<16xi32> -> vector<16xi32>
        %le3A_516 = arith.cmpf ole, %while3A_461, %rev3A_510 : vector<16xf32>
        %min3A_517 = arith.minimumf %while3A_461, %rev3A_510 : vector<16xf32>
        %select_n3A_518 = arith.select %le3A_516, %while3A_462, %rev3A_515 : vector<16xi1>, vector<16xi32>
        %rev3A_519 = arith.constant 15 : i32
        %rev3A_520 = vector.broadcast %rev3A_519 : i32 to vector<16xi32>
        %rev3A_521 = tpu.iota {dimensions = array<i32: 0>} : vector<16xi32>
        %rev3A_522 = arith.subi %rev3A_520, %rev3A_521 : vector<16xi32>
        %rev3A_523 = tpu.dynamic_gather %masked_sort3A_500[%rev3A_522] in [0] : vector<16xf32>, vector<16xi32> -> vector<16xf32>
        %rev3A_524 = arith.constant 15 : i32
        %rev3A_525 = vector.broadcast %rev3A_524 : i32 to vector<16xi32>
        %rev3A_526 = tpu.iota {dimensions = array<i32: 0>} : vector<16xi32>
        %rev3A_527 = arith.subi %rev3A_525, %rev3A_526 : vector<16xi32>
        %rev3A_528 = tpu.dynamic_gather %masked_sort3A_501[%rev3A_527] in [0] : vector<16xi32>, vector<16xi32> -> vector<16xi32>
        %le3A_529 = arith.cmpf ole, %while3A_463, %rev3A_523 : vector<16xf32>
        %min3A_530 = arith.minimumf %while3A_463, %rev3A_523 : vector<16xf32>
        %select_n3A_531 = arith.select %le3A_529, %while3A_464, %rev3A_528 : vector<16xi1>, vector<16xi32>
        %masked_sort3A_532 = arith.constant dense<true> : vector<16xi1>
        %masked_sort3A_533, %masked_sort3A_534, %masked_sort3A_535 = tpu.sort %min3A_517, %select_n3A_518 masked %masked_sort3A_532 : (vector<16xf32>, vector<16xi32>, vector<16xi1>) -> (vector<16xi1>, vector<16xf32>, vector<16xi32>)
        %masked_sort3A_536 = arith.constant dense<true> : vector<16xi1>
        %masked_sort3A_537, %masked_sort3A_538, %masked_sort3A_539 = tpu.sort %min3A_530, %select_n3A_531 masked %masked_sort3A_536 : (vector<16xf32>, vector<16xi32>, vector<16xi1>) -> (vector<16xi1>, vector<16xf32>, vector<16xi32>)
        %rev3A_540 = arith.constant 15 : i32
        %rev3A_541 = vector.broadcast %rev3A_540 : i32 to vector<16xi32>
        %rev3A_542 = tpu.iota {dimensions = array<i32: 0>} : vector<16xi32>
        %rev3A_543 = arith.subi %rev3A_541, %rev3A_542 : vector<16xi32>
        %rev3A_544 = tpu.dynamic_gather %masked_sort3A_538[%rev3A_543] in [0] : vector<16xf32>, vector<16xi32> -> vector<16xf32>
        %rev3A_545 = arith.constant 15 : i32
        %rev3A_546 = vector.broadcast %rev3A_545 : i32 to vector<16xi32>
        %rev3A_547 = tpu.iota {dimensions = array<i32: 0>} : vector<16xi32>
        %rev3A_548 = arith.subi %rev3A_546, %rev3A_547 : vector<16xi32>
        %rev3A_549 = tpu.dynamic_gather %masked_sort3A_539[%rev3A_548] in [0] : vector<16xi32>, vector<16xi32> -> vector<16xi32>
        %le3A_550 = arith.cmpf ole, %masked_sort3A_534, %rev3A_544 : vector<16xf32>
        %min3A_551 = arith.minimumf %masked_sort3A_534, %rev3A_544 : vector<16xf32>
        %select_n3A_552 = arith.select %le3A_550, %masked_sort3A_535, %rev3A_549 : vector<16xi1>, vector<16xi32>
        %max3A_553 = arith.maximumf %masked_sort3A_534, %rev3A_544 : vector<16xf32>
        %select_n3A_554 = arith.select %le3A_550, %rev3A_549, %masked_sort3A_535 : vector<16xi1>, vector<16xi32>
        %masked_sort3A_555 = arith.constant dense<true> : vector<16xi1>
        %masked_sort3A_556, %masked_sort3A_557, %masked_sort3A_558 = tpu.sort %min3A_551, %select_n3A_552 masked %masked_sort3A_555 : (vector<16xf32>, vector<16xi32>, vector<16xi1>) -> (vector<16xi1>, vector<16xf32>, vector<16xi32>)
        %masked_sort3A_559 = arith.constant dense<true> : vector<16xi1>
        %masked_sort3A_560, %masked_sort3A_561, %masked_sort3A_562 = tpu.sort %max3A_553, %select_n3A_554 masked %masked_sort3A_559 : (vector<16xf32>, vector<16xi32>, vector<16xi1>) -> (vector<16xi1>, vector<16xf32>, vector<16xi32>)
        scf.yield %masked_sort3A_557, %masked_sort3A_558, %masked_sort3A_561, %masked_sort3A_562 : vector<16xf32>, vector<16xi32>, vector<16xf32>, vector<16xi32>
      }
      %swap3A_210 = arith.constant 0 : index
      %swap3A_211 = tpu.vector_load %arg15[%swap3A_210] {strides = array<i32>} : memref<32xi32, #tpu.memory_space<vmem>>, vector<16xi32>,
      tpu.vector_store %arg15[%swap3A_210], %while3A_209#1 {strides = array<i32>} : memref<32xi32, #tpu.memory_space<vmem>>, vector<16xi32>,
      %swap3A_212 = arith.constant 16 : index
      %swap3A_213 = tpu.vector_load %arg15[%swap3A_212] {strides = array<i32>} : memref<32xi32, #tpu.memory_space<vmem>>, vector<16xi32>,
      tpu.vector_store %arg15[%swap3A_212], %while3A_209#3 {strides = array<i32>} : memref<32xi32, #tpu.memory_space<vmem>>, vector<16xi32>,
      %swap3A_214 = arith.constant 0 : index
      %swap3A_215 = tpu.vector_load %arg18[%swap3A_214] {strides = array<i32>} : memref<32xf32, #tpu.memory_space<vmem>>, vector<16xf32>,
      tpu.vector_store %arg18[%swap3A_214], %while3A_209#0 {strides = array<i32>} : memref<32xf32, #tpu.memory_space<vmem>>, vector<16xf32>,
      %swap3A_216 = arith.constant 16 : index
      %swap3A_217 = tpu.vector_load %arg18[%swap3A_216] {strides = array<i32>} : memref<32xf32, #tpu.memory_space<vmem>>, vector<16xf32>,
      tpu.vector_store %arg18[%swap3A_216], %while3A_209#2 {strides = array<i32>} : memref<32xf32, #tpu.memory_space<vmem>>, vector<16xf32>,
      %sub3A_218 = arith.constant 1 : i32
      %sub3A_219 = vector.broadcast %sub3A_218 : i32 to vector<16xi32>
      %sub3A_220 = arith.subi %iota3A, %sub3A_219 : vector<16xi32>
      %max3A_221 = arith.constant 0 : i32
      %max3A_222 = vector.broadcast %max3A_221 : i32 to vector<16xi32>
      %max3A_223 = arith.maxsi %sub3A_220, %max3A_222 : vector<16xi32>
      %gather3A_224 = tpu.vector_load_idx %arg18[%max3A_223] : memref<32xf32, #tpu.memory_space<vmem>>[vector<16xi32>], vector<16xf32>,
      %add3A_225 = arith.constant 15 : i32
      %add3A_226 = vector.broadcast %add3A_225 : i32 to vector<16xi32>
      %add3A_227 = arith.addi %iota3A, %add3A_226 : vector<16xi32>
      %gather3A_228 = tpu.vector_load_idx %arg18[%add3A_227] : memref<32xf32, #tpu.memory_space<vmem>>[vector<16xi32>], vector<16xf32>,
      %eq3A_229 = arith.cmpf oeq, %gather3A_224, %while3A_209#0 : vector<16xf32>
      %gt3A = arith.constant 0 : i32
      %gt3A_230 = vector.broadcast %gt3A : i32 to vector<16xi32>
      %gt3A_231 = arith.cmpi sgt, %iota3A, %gt3A_230 : vector<16xi32>
      %and3A_232 = arith.andi %eq3A_229, %gt3A_231 : vector<16xi1>
      %reduce_or3A = arith.constant 1.000000e+00 : f32
      %reduce_or3A_233 = arith.constant 0.000000e+00 : f32
      %reduce_or3A_234 = vector.broadcast %reduce_or3A : f32 to vector<16xf32>
      %reduce_or3A_235 = vector.broadcast %reduce_or3A_233 : f32 to vector<16xf32>
      %reduce_or3A_236 = arith.select %and3A_232, %reduce_or3A_234, %reduce_or3A_235 : vector<16xi1>, vector<16xf32>
      %reduce_or3A_237 = arith.constant true
      %reduce_or3A_238 = vector.broadcast %reduce_or3A_237 : i1 to vector<16xi1>
      %reduce_or3A_239 = tpu.scan <max>, %reduce_or3A_236 masked %reduce_or3A_238 : vector<16xf32>, vector<16xi1> -> vector<16xf32>
      %reduce_or3A_240 = vector.extract %reduce_or3A_239[15] : f32 from vector<16xf32>
      %reduce_or3A_241 = arith.constant 0.000000e+00 : f32
      %reduce_or3A_242 = arith.cmpf ogt, %reduce_or3A_240, %reduce_or3A_241 : f32
      %eq3A_243 = arith.cmpf oeq, %gather3A_228, %while3A_209#2 : vector<16xf32>
      %reduce_or3A_244 = arith.constant 1.000000e+00 : f32
      %reduce_or3A_245 = arith.constant 0.000000e+00 : f32
      %reduce_or3A_246 = vector.broadcast %reduce_or3A_244 : f32 to vector<16xf32>
      %reduce_or3A_247 = vector.broadcast %reduce_or3A_245 : f32 to vector<16xf32>
      %reduce_or3A_248 = arith.select %eq3A_243, %reduce_or3A_246, %reduce_or3A_247 : vector<16xi1>, vector<16xf32>
      %reduce_or3A_249 = arith.constant true
      %reduce_or3A_250 = vector.broadcast %reduce_or3A_249 : i1 to vector<16xi1>
      %reduce_or3A_251 = tpu.scan <max>, %reduce_or3A_248 masked %reduce_or3A_250 : vector<16xf32>, vector<16xi1> -> vector<16xf32>
      %reduce_or3A_252 = vector.extract %reduce_or3A_251[15] : f32 from vector<16xf32>
      %reduce_or3A_253 = arith.constant 0.000000e+00 : f32
      %reduce_or3A_254 = arith.cmpf ogt, %reduce_or3A_252, %reduce_or3A_253 : f32
      %or3A = arith.ori %reduce_or3A_242, %reduce_or3A_254 : i1
      %reduce_max3A = arith.constant true
      %reduce_max3A_255 = vector.broadcast %reduce_max3A : i1 to vector<16xi1>
      %reduce_max3A_256 = tpu.scan <max>, %while3A_209#2 masked %reduce_max3A_255 : vector<16xf32>, vector<16xi1> -> vector<16xf32>
      %reduce_max3A_257 = vector.extract %reduce_max3A_256[15] : f32 from vector<16xf32>
      %add3A_258 = arith.constant 15 : i32
      %add3A_259 = arith.addi %scan3A_151, %add3A_258 : i32
      %shift_right_logical3A_260 = arith.constant 4 : i32
      %shift_right_logical3A_261 = arith.shrui %add3A_259, %shift_right_logical3A_260 : i32
      %while3A_262 = arith.constant 0 : i32
      %while3A_263 = arith.constant 0 : i32
      %while3A_264 = arith.subi %shift_right_logical3A_261, %while3A_262 : i32
      %while3A_265 = arith.addi %while3A_262, %while3A_264 : i32
      %while3A_266 = arith.constant 1 : i32
      %while3A_267 = arith.divsi %while3A_264, %while3A_266 : i32
      %while3A_268 = arith.muli %while3A_267, %while3A_266 : i32
      %while3A_269 = arith.addi %while3A_262, %while3A_268 : i32
      %while3A_270 = arith.constant 1 : i32
      %while3A_271 = scf.for %while3A_460 = %while3A_262 to %while3A_269 step %while3A_270 iter_args(%while3A_461 = %while3A_263) -> (i32)  : i32 {
        %mul3A_462 = arith.constant 16 : i32
        %mul3A_463 = arith.muli %while3A_460, %mul3A_462 : i32
        %get3A_464 = arith.index_cast %mul3A_463 : i32 to index
        %get3A_465 = tpu.vector_load %arg14[%get3A_464] {strides = array<i32>} : memref<8240xi32, #tpu.memory_space<vmem>>, vector<16xi32>,
        %gather3A_466 = tpu.vector_load_idx %arg13[%get3A_465] : memref<8208xf32, #tpu.memory_space<vmem>>[vector<16xi32>], vector<16xf32>,
        %le3A_467 = vector.broadcast %reduce_max3A_257 : f32 to vector<16xf32>
        %le3A_468 = arith.cmpf ole, %gather3A_466, %le3A_467 : vector<16xf32>
        %all_reduce_population_count3A = tpu.all_reduce %le3A_468 {dim = 0 : i64, kind = #tpu.reduction_kind<sum>} : vector<16xi1> -> vector<16xi32>
        %slice3A = vector.extract_strided_slice %all_reduce_population_count3A {offsets = [0], sizes = [1], strides = [1]} : vector<16xi32> to vector<1xi32>
        %squeeze3A = vector.extract %slice3A[0] : i32 from vector<1xi32>
        %add3A_469 = arith.addi %while3A_461, %squeeze3A : i32
        scf.yield %add3A_469 : i32
      }
      %while3A_272 = arith.constant 1 : i32
      %while3A_273 = scf.for %while3A_460 = %while3A_269 to %while3A_265 step %while3A_272 iter_args(%while3A_461 = %while3A_271) -> (i32)  : i32 {
        %mul3A_462 = arith.constant 16 : i32
        %mul3A_463 = arith.muli %while3A_460, %mul3A_462 : i32
        %get3A_464 = arith.index_cast %mul3A_463 : i32 to index
        %get3A_465 = tpu.vector_load %arg14[%get3A_464] {strides = array<i32>} : memref<8240xi32, #tpu.memory_space<vmem>>, vector<16xi32>,
        %gather3A_466 = tpu.vector_load_idx %arg13[%get3A_465] : memref<8208xf32, #tpu.memory_space<vmem>>[vector<16xi32>], vector<16xf32>,
        %le3A_467 = vector.broadcast %reduce_max3A_257 : f32 to vector<16xf32>
        %le3A_468 = arith.cmpf ole, %gather3A_466, %le3A_467 : vector<16xf32>
        %all_reduce_population_count3A = tpu.all_reduce %le3A_468 {dim = 0 : i64, kind = #tpu.reduction_kind<sum>} : vector<16xi1> -> vector<16xi32>
        %slice3A = vector.extract_strided_slice %all_reduce_population_count3A {offsets = [0], sizes = [1], strides = [1]} : vector<16xi32> to vector<1xi32>
        %squeeze3A = vector.extract %slice3A[0] : i32 from vector<1xi32>
        %add3A_469 = arith.addi %while3A_461, %squeeze3A : i32
        scf.yield %add3A_469 : i32
      }
      %gt3A_274 = arith.constant 32 : i32
      %gt3A_275 = arith.cmpi sgt, %while3A_273, %gt3A_274 : i32
      %or3A_276 = arith.ori %or3A, %gt3A_275 : i1
      %convert_element_type3A_277 = arith.extui %or3A_276 : i1 to i32
      %cond3A = arith.constant 0 : i32
      %cond3A_278 = arith.cmpi ne, %convert_element_type3A_277, %cond3A : i32
      scf.if %cond3A_278 {
        %while3A_460 = arith.constant 0 : i32
        %while3A_461 = arith.constant 0 : i32
        %while3A_462 = arith.subi %shift_right_logical3A_261, %while3A_460 : i32
        %while3A_463 = arith.addi %while3A_460, %while3A_462 : i32
        %while3A_464 = arith.constant 1 : i32
        %while3A_465 = arith.divsi %while3A_462, %while3A_464 : i32
        %while3A_466 = arith.muli %while3A_465, %while3A_464 : i32
        %while3A_467 = arith.addi %while3A_460, %while3A_466 : i32
        %while3A_468 = arith.constant 1 : i32
        %while3A_469 = scf.for %while3A_479 = %while3A_460 to %while3A_467 step %while3A_468 iter_args(%while3A_480 = %while3A_461) -> (i32)  : i32 {
          %mul3A_481 = arith.constant 16 : i32
          %mul3A_482 = arith.muli %while3A_479, %mul3A_481 : i32
          %get3A_483 = arith.index_cast %mul3A_482 : i32 to index
          %get3A_484 = tpu.vector_load %arg14[%get3A_483] {strides = array<i32>} : memref<8240xi32, #tpu.memory_space<vmem>>, vector<16xi32>,
          %gather3A_485 = tpu.vector_load_idx %arg13[%get3A_484] : memref<8208xf32, #tpu.memory_space<vmem>>[vector<16xi32>], vector<16xf32>,
          %mul3A_486 = arith.constant 16 : i32
          %mul3A_487 = arith.muli %while3A_479, %mul3A_486 : i32
          %swap3A_488 = arith.index_cast %mul3A_487 : i32 to index
          %swap3A_489 = tpu.vector_load %arg19[%swap3A_488] {strides = array<i32>} : memref<8208xf32, #tpu.memory_space<vmem>>, vector<16xf32>,
          tpu.vector_store %arg19[%swap3A_488], %gather3A_485 {strides = array<i32>} : memref<8208xf32, #tpu.memory_space<vmem>>, vector<16xf32>,
          %while3A_490 = arith.constant 0 : i32
          scf.yield %while3A_490 : i32
        }
        %while3A_470 = arith.constant 1 : i32
        %while3A_471 = scf.for %while3A_479 = %while3A_467 to %while3A_463 step %while3A_470 iter_args(%while3A_480 = %while3A_469) -> (i32)  : i32 {
          %mul3A_481 = arith.constant 16 : i32
          %mul3A_482 = arith.muli %while3A_479, %mul3A_481 : i32
          %get3A_483 = arith.index_cast %mul3A_482 : i32 to index
          %get3A_484 = tpu.vector_load %arg14[%get3A_483] {strides = array<i32>} : memref<8240xi32, #tpu.memory_space<vmem>>, vector<16xi32>,
          %gather3A_485 = tpu.vector_load_idx %arg13[%get3A_484] : memref<8208xf32, #tpu.memory_space<vmem>>[vector<16xi32>], vector<16xf32>,
          %mul3A_486 = arith.constant 16 : i32
          %mul3A_487 = arith.muli %while3A_479, %mul3A_486 : i32
          %swap3A_488 = arith.index_cast %mul3A_487 : i32 to index
          %swap3A_489 = tpu.vector_load %arg19[%swap3A_488] {strides = array<i32>} : memref<8208xf32, #tpu.memory_space<vmem>>, vector<16xf32>,
          tpu.vector_store %arg19[%swap3A_488], %gather3A_485 {strides = array<i32>} : memref<8208xf32, #tpu.memory_space<vmem>>, vector<16xf32>,
          %while3A_490 = arith.constant 0 : i32
          scf.yield %while3A_490 : i32
        }
        %scan3A_472 = arith.constant 0 : i32
        %scan3A_473 = arith.constant 0 : i32
        %scan3A_474 = arith.constant 32 : i32
        %scan3A_475 = arith.addi %scan3A_473, %scan3A_474 : i32
        %scan3A_476 = arith.constant 1 : i32
        %scan3A_477 = scf.for %scan3A_479 = %scan3A_473 to %scan3A_475 step %scan3A_476 iter_args(%scan3A_480 = %scan3A_472) -> (i32)  : i32 {
          %while3A_481 = arith.constant 0 : i32
          %while3A_482 = arith.subi %shift_right_logical3A_261, %while3A_481 : i32
          %while3A_483 = arith.addi %while3A_481, %while3A_482 : i32
          %while3A_484 = arith.constant 1 : i32
          %while3A_485 = arith.divsi %while3A_482, %while3A_484 : i32
          %while3A_486 = arith.muli %while3A_485, %while3A_484 : i32
          %while3A_487 = arith.addi %while3A_481, %while3A_486 : i32
          %while3A_488 = arith.constant 1 : i32
          %while3A_489 = scf.for %while3A_519 = %while3A_481 to %while3A_487 step %while3A_488 iter_args(%while3A_520 = %add3A_47) -> (vector<16xf32>)  : i32 {
            %mul3A_521 = arith.constant 16 : i32
            %mul3A_522 = arith.muli %while3A_519, %mul3A_521 : i32
            %get3A_523 = arith.index_cast %mul3A_522 : i32 to index
            %get3A_524 = tpu.vector_load %arg19[%get3A_523] {strides = array<i32>} : memref<8208xf32, #tpu.memory_space<vmem>>, vector<16xf32>,
            %min3A_525 = arith.minimumf %while3A_520, %get3A_524 : vector<16xf32>
            scf.yield %min3A_525 : vector<16xf32>
          }
          %while3A_490 = arith.constant 1 : i32
          %while3A_491 = scf.for %while3A_519 = %while3A_487 to %while3A_483 step %while3A_490 iter_args(%while3A_520 = %while3A_489) -> (vector<16xf32>)  : i32 {
            %mul3A_521 = arith.constant 16 : i32
            %mul3A_522 = arith.muli %while3A_519, %mul3A_521 : i32
            %get3A_523 = arith.index_cast %mul3A_522 : i32 to index
            %get3A_524 = tpu.vector_load %arg19[%get3A_523] {strides = array<i32>} : memref<8208xf32, #tpu.memory_space<vmem>>, vector<16xf32>,
            %min3A_525 = arith.minimumf %while3A_520, %get3A_524 : vector<16xf32>
            scf.yield %min3A_525 : vector<16xf32>
          }
          %reduce_min3A = arith.constant true
          %reduce_min3A_492 = vector.broadcast %reduce_min3A : i1 to vector<16xi1>
          %reduce_min3A_493 = tpu.scan <min>, %while3A_491 masked %reduce_min3A_492 : vector<16xf32>, vector<16xi1> -> vector<16xf32>
          %reduce_min3A_494 = vector.extract %reduce_min3A_493[15] : f32 from vector<16xf32>
          %while3A_495 = arith.constant 0 : i32
          %while3A_496 = arith.constant 1073741824 : i32
          %while3A_497 = arith.subi %shift_right_logical3A_261, %while3A_495 : i32
          %while3A_498 = arith.addi %while3A_495, %while3A_497 : i32
          %while3A_499 = arith.constant 1 : i32
          %while3A_500 = arith.divsi %while3A_497, %while3A_499 : i32
          %while3A_501 = arith.muli %while3A_500, %while3A_499 : i32
          %while3A_502 = arith.addi %while3A_495, %while3A_501 : i32
          %while3A_503 = arith.constant 1 : i32
          %while3A_504 = scf.for %while3A_519 = %while3A_495 to %while3A_502 step %while3A_503 iter_args(%while3A_520 = %while3A_496) -> (i32)  : i32 {
            %mul3A_521 = arith.constant 16 : i32
            %mul3A_522 = arith.muli %while3A_519, %mul3A_521 : i32
            %get3A_523 = arith.index_cast %mul3A_522 : i32 to index
            %get3A_524 = tpu.vector_load %arg19[%get3A_523] {strides = array<i32>} : memref<8208xf32, #tpu.memory_space<vmem>>, vector<16xf32>,
            %eq3A_525 = vector.broadcast %reduce_min3A_494 : f32 to vector<16xf32>
            %eq3A_526 = arith.cmpf oeq, %get3A_524, %eq3A_525 : vector<16xf32>
            %reduce_or3A_527 = arith.constant 1.000000e+00 : f32
            %reduce_or3A_528 = arith.constant 0.000000e+00 : f32
            %reduce_or3A_529 = vector.broadcast %reduce_or3A_527 : f32 to vector<16xf32>
            %reduce_or3A_530 = vector.broadcast %reduce_or3A_528 : f32 to vector<16xf32>
            %reduce_or3A_531 = arith.select %eq3A_526, %reduce_or3A_529, %reduce_or3A_530 : vector<16xi1>, vector<16xf32>
            %reduce_or3A_532 = arith.constant true
            %reduce_or3A_533 = vector.broadcast %reduce_or3A_532 : i1 to vector<16xi1>
            %reduce_or3A_534 = tpu.scan <max>, %reduce_or3A_531 masked %reduce_or3A_533 : vector<16xf32>, vector<16xi1> -> vector<16xf32>
            %reduce_or3A_535 = vector.extract %reduce_or3A_534[15] : f32 from vector<16xf32>
            %reduce_or3A_536 = arith.constant 0.000000e+00 : f32
            %reduce_or3A_537 = arith.cmpf ogt, %reduce_or3A_535, %reduce_or3A_536 : f32
            %all_reduce_ffs3A = tpu.all_reduce %eq3A_526 {dim = 0 : i64, kind = #tpu.reduction_kind<find_first_set>} : vector<16xi1> -> vector<16xi32>
            %slice3A = vector.extract_strided_slice %all_reduce_ffs3A {offsets = [0], sizes = [1], strides = [1]} : vector<16xi32> to vector<1xi32>
            %squeeze3A = vector.extract %slice3A[0] : i32 from vector<1xi32>
            %mul3A_538 = arith.constant 16 : i32
            %mul3A_539 = arith.muli %while3A_519, %mul3A_538 : i32
            %add3A_540 = arith.addi %mul3A_539, %squeeze3A : i32
            %min3A_541 = arith.minsi %while3A_520, %add3A_540 : i32
            %select_n3A_542 = arith.select %reduce_or3A_537, %min3A_541, %while3A_520 : i32
            scf.yield %select_n3A_542 : i32
          }
          %while3A_505 = arith.constant 1 : i32
          %while3A_506 = scf.for %while3A_519 = %while3A_502 to %while3A_498 step %while3A_505 iter_args(%while3A_520 = %while3A_504) -> (i32)  : i32 {
            %mul3A_521 = arith.constant 16 : i32
            %mul3A_522 = arith.muli %while3A_519, %mul3A_521 : i32
            %get3A_523 = arith.index_cast %mul3A_522 : i32 to index
            %get3A_524 = tpu.vector_load %arg19[%get3A_523] {strides = array<i32>} : memref<8208xf32, #tpu.memory_space<vmem>>, vector<16xf32>,
            %eq3A_525 = vector.broadcast %reduce_min3A_494 : f32 to vector<16xf32>
            %eq3A_526 = arith.cmpf oeq, %get3A_524, %eq3A_525 : vector<16xf32>
            %reduce_or3A_527 = arith.constant 1.000000e+00 : f32
            %reduce_or3A_528 = arith.constant 0.000000e+00 : f32
            %reduce_or3A_529 = vector.broadcast %reduce_or3A_527 : f32 to vector<16xf32>
            %reduce_or3A_530 = vector.broadcast %reduce_or3A_528 : f32 to vector<16xf32>
            %reduce_or3A_531 = arith.select %eq3A_526, %reduce_or3A_529, %reduce_or3A_530 : vector<16xi1>, vector<16xf32>
            %reduce_or3A_532 = arith.constant true
            %reduce_or3A_533 = vector.broadcast %reduce_or3A_532 : i1 to vector<16xi1>
            %reduce_or3A_534 = tpu.scan <max>, %reduce_or3A_531 masked %reduce_or3A_533 : vector<16xf32>, vector<16xi1> -> vector<16xf32>
            %reduce_or3A_535 = vector.extract %reduce_or3A_534[15] : f32 from vector<16xf32>
            %reduce_or3A_536 = arith.constant 0.000000e+00 : f32
            %reduce_or3A_537 = arith.cmpf ogt, %reduce_or3A_535, %reduce_or3A_536 : f32
            %all_reduce_ffs3A = tpu.all_reduce %eq3A_526 {dim = 0 : i64, kind = #tpu.reduction_kind<find_first_set>} : vector<16xi1> -> vector<16xi32>
            %slice3A = vector.extract_strided_slice %all_reduce_ffs3A {offsets = [0], sizes = [1], strides = [1]} : vector<16xi32> to vector<1xi32>
            %squeeze3A = vector.extract %slice3A[0] : i32 from vector<1xi32>
            %mul3A_538 = arith.constant 16 : i32
            %mul3A_539 = arith.muli %while3A_519, %mul3A_538 : i32
            %add3A_540 = arith.addi %mul3A_539, %squeeze3A : i32
            %min3A_541 = arith.minsi %while3A_520, %add3A_540 : i32
            %select_n3A_542 = arith.select %reduce_or3A_537, %min3A_541, %while3A_520 : i32
            scf.yield %select_n3A_542 : i32
          }
          %mul3A_507 = arith.constant 0 : i32
          %mul3A_508 = vector.broadcast %mul3A_507 : i32 to vector<16xi32>
          %mul3A_509 = arith.muli %iota3A, %mul3A_508 : vector<16xi32>
          %add3A_510 = vector.broadcast %while3A_506 : i32 to vector<16xi32>
          %add3A_511 = arith.addi %mul3A_509, %add3A_510 : vector<16xi32>
          %gather3A_512 = tpu.vector_load_idx %arg14[%add3A_511] : memref<8240xi32, #tpu.memory_space<vmem>>[vector<16xi32>], vector<16xi32>,
          %mul3A_513 = arith.constant 0 : i32
          %mul3A_514 = vector.broadcast %mul3A_513 : i32 to vector<16xi32>
          %mul3A_515 = arith.muli %iota3A, %mul3A_514 : vector<16xi32>
          %add3A_516 = vector.broadcast %scan3A_479 : i32 to vector<16xi32>
          %add3A_517 = arith.addi %mul3A_515, %add3A_516 : vector<16xi32>
          tpu.vector_store_idx %arg15[%add3A_517], %gather3A_512 : memref<32xi32, #tpu.memory_space<vmem>>[vector<16xi32>], vector<16xi32>,
          tpu.vector_store_idx %arg19[%add3A_511], %add3A_47 : memref<8208xf32, #tpu.memory_space<vmem>>[vector<16xi32>], vector<16xf32>,
          %scan3A_518 = arith.constant 0 : i32
          scf.yield %scan3A_518 : i32
        }
        %scan3A_478 = arith.constant 32 : i32
      } else {
      }
      %gather3A_279 = tpu.vector_load_idx %arg15[%shift_right_logical3A_56] : memref<32xi32, #tpu.memory_space<vmem>>[vector<16xi32>], vector<16xi32>,
      %mul3A_280 = arith.constant 3 : i32
      %mul3A_281 = vector.broadcast %mul3A_280 : i32 to vector<16xi32>
      %mul3A_282 = arith.muli %gather3A_279, %mul3A_281 : vector<16xi32>
      %add3A_283 = arith.addi %mul3A_282, %sub3A_60 : vector<16xi32>
      %gather3A_284 = tpu.vector_load_idx %arg9[%add3A_283] : memref<24576xf32, #tpu.memory_space<vmem>>[vector<16xi32>], vector<16xf32>,
      %mul3A_285 = arith.constant 3 : i32
      %mul3A_286 = arith.muli %scan3A_136, %mul3A_285 : i32
      %add3A_287 = vector.broadcast %mul3A_286 : i32 to vector<16xi32>
      %add3A_288 = arith.addi %add3A_287, %sub3A_60 : vector<16xi32>
      %gather3A_289 = tpu.vector_load_idx %arg11[%add3A_288] : memref<384xf32, #tpu.memory_space<vmem>>[vector<16xi32>], vector<16xf32>,
      %sub3A_290 = arith.subf %gather3A_284, %gather3A_289 : vector<16xf32>
      %mul3A_291 = arith.constant 96 : i32
      %mul3A_292 = arith.muli %scan3A_136, %mul3A_291 : i32
      %add3A_293 = arith.constant 0 : i32
      %add3A_294 = arith.addi %mul3A_292, %add3A_293 : i32
      %swap3A_295 = arith.index_cast %add3A_294 : i32 to index
      %swap3A_296 = tpu.vector_load %arg16[%swap3A_295] {strides = array<i32>} : memref<12288xf32, #tpu.memory_space<vmem>>, vector<16xf32>,
      tpu.vector_store %arg16[%swap3A_295], %sub3A_290 {strides = array<i32>} : memref<12288xf32, #tpu.memory_space<vmem>>, vector<16xf32>,
      %mul3A_297 = arith.constant 192 : i32
      %mul3A_298 = arith.muli %scan3A_136, %mul3A_297 : i32
      %mul3A_299 = arith.constant 6 : i32
      %mul3A_300 = vector.broadcast %mul3A_299 : i32 to vector<16xi32>
      %mul3A_301 = arith.muli %shift_right_logical3A_56, %mul3A_300 : vector<16xi32>
      %add3A_302 = vector.broadcast %mul3A_298 : i32 to vector<16xi32>
      %add3A_303 = arith.addi %add3A_302, %mul3A_301 : vector<16xi32>
      %add3A_304 = arith.addi %add3A_303, %sub3A_60 : vector<16xi32>
      tpu.vector_store_idx %arg17[%add3A_304], %sub3A_290 : memref<24576xf32, #tpu.memory_space<vmem>>[vector<16xi32>], vector<16xf32>,
      %gather3A_305 = tpu.vector_load_idx %arg10[%add3A_283] : memref<24576xf32, #tpu.memory_space<vmem>>[vector<16xi32>], vector<16xf32>,
      %add3A_306 = arith.constant 3 : i32
      %add3A_307 = vector.broadcast %add3A_306 : i32 to vector<16xi32>
      %add3A_308 = arith.addi %add3A_304, %add3A_307 : vector<16xi32>
      tpu.vector_store_idx %arg17[%add3A_308], %gather3A_305 : memref<24576xf32, #tpu.memory_space<vmem>>[vector<16xi32>], vector<16xf32>,
      %gather3A_309 = tpu.vector_load_idx %arg15[%shift_right_logical3A_69] : memref<32xi32, #tpu.memory_space<vmem>>[vector<16xi32>], vector<16xi32>,
      %mul3A_310 = arith.constant 3 : i32
      %mul3A_311 = vector.broadcast %mul3A_310 : i32 to vector<16xi32>
      %mul3A_312 = arith.muli %gather3A_309, %mul3A_311 : vector<16xi32>
      %add3A_313 = arith.addi %mul3A_312, %sub3A_73 : vector<16xi32>
      %gather3A_314 = tpu.vector_load_idx %arg9[%add3A_313] : memref<24576xf32, #tpu.memory_space<vmem>>[vector<16xi32>], vector<16xf32>,
      %mul3A_315 = arith.constant 3 : i32
      %mul3A_316 = arith.muli %scan3A_136, %mul3A_315 : i32
      %add3A_317 = vector.broadcast %mul3A_316 : i32 to vector<16xi32>
      %add3A_318 = arith.addi %add3A_317, %sub3A_73 : vector<16xi32>
      %gather3A_319 = tpu.vector_load_idx %arg11[%add3A_318] : memref<384xf32, #tpu.memory_space<vmem>>[vector<16xi32>], vector<16xf32>,
      %sub3A_320 = arith.subf %gather3A_314, %gather3A_319 : vector<16xf32>
      %mul3A_321 = arith.constant 96 : i32
      %mul3A_322 = arith.muli %scan3A_136, %mul3A_321 : i32
      %add3A_323 = arith.constant 16 : i32
      %add3A_324 = arith.addi %mul3A_322, %add3A_323 : i32
      %swap3A_325 = arith.index_cast %add3A_324 : i32 to index
      %swap3A_326 = tpu.vector_load %arg16[%swap3A_325] {strides = array<i32>} : memref<12288xf32, #tpu.memory_space<vmem>>, vector<16xf32>,
      tpu.vector_store %arg16[%swap3A_325], %sub3A_320 {strides = array<i32>} : memref<12288xf32, #tpu.memory_space<vmem>>, vector<16xf32>,
      %mul3A_327 = arith.constant 192 : i32
      %mul3A_328 = arith.muli %scan3A_136, %mul3A_327 : i32
      %mul3A_329 = arith.constant 6 : i32
      %mul3A_330 = vector.broadcast %mul3A_329 : i32 to vector<16xi32>
      %mul3A_331 = arith.muli %shift_right_logical3A_69, %mul3A_330 : vector<16xi32>
      %add3A_332 = vector.broadcast %mul3A_328 : i32 to vector<16xi32>
      %add3A_333 = arith.addi %add3A_332, %mul3A_331 : vector<16xi32>
      %add3A_334 = arith.addi %add3A_333, %sub3A_73 : vector<16xi32>
      tpu.vector_store_idx %arg17[%add3A_334], %sub3A_320 : memref<24576xf32, #tpu.memory_space<vmem>>[vector<16xi32>], vector<16xf32>,
      %gather3A_335 = tpu.vector_load_idx %arg10[%add3A_313] : memref<24576xf32, #tpu.memory_space<vmem>>[vector<16xi32>], vector<16xf32>,
      %add3A_336 = arith.constant 3 : i32
      %add3A_337 = vector.broadcast %add3A_336 : i32 to vector<16xi32>
      %add3A_338 = arith.addi %add3A_334, %add3A_337 : vector<16xi32>
      tpu.vector_store_idx %arg17[%add3A_338], %gather3A_335 : memref<24576xf32, #tpu.memory_space<vmem>>[vector<16xi32>], vector<16xf32>,
      %gather3A_339 = tpu.vector_load_idx %arg15[%shift_right_logical3A_82] : memref<32xi32, #tpu.memory_space<vmem>>[vector<16xi32>], vector<16xi32>,
      %mul3A_340 = arith.constant 3 : i32
      %mul3A_341 = vector.broadcast %mul3A_340 : i32 to vector<16xi32>
      %mul3A_342 = arith.muli %gather3A_339, %mul3A_341 : vector<16xi32>
      %add3A_343 = arith.addi %mul3A_342, %sub3A_86 : vector<16xi32>
      %gather3A_344 = tpu.vector_load_idx %arg9[%add3A_343] : memref<24576xf32, #tpu.memory_space<vmem>>[vector<16xi32>], vector<16xf32>,
      %mul3A_345 = arith.constant 3 : i32
      %mul3A_346 = arith.muli %scan3A_136, %mul3A_345 : i32
      %add3A_347 = vector.broadcast %mul3A_346 : i32 to vector<16xi32>
      %add3A_348 = arith.addi %add3A_347, %sub3A_86 : vector<16xi32>
      %gather3A_349 = tpu.vector_load_idx %arg11[%add3A_348] : memref<384xf32, #tpu.memory_space<vmem>>[vector<16xi32>], vector<16xf32>,
      %sub3A_350 = arith.subf %gather3A_344, %gather3A_349 : vector<16xf32>
      %mul3A_351 = arith.constant 96 : i32
      %mul3A_352 = arith.muli %scan3A_136, %mul3A_351 : i32
      %add3A_353 = arith.constant 32 : i32
      %add3A_354 = arith.addi %mul3A_352, %add3A_353 : i32
      %swap3A_355 = arith.index_cast %add3A_354 : i32 to index
      %swap3A_356 = tpu.vector_load %arg16[%swap3A_355] {strides = array<i32>} : memref<12288xf32, #tpu.memory_space<vmem>>, vector<16xf32>,
      tpu.vector_store %arg16[%swap3A_355], %sub3A_350 {strides = array<i32>} : memref<12288xf32, #tpu.memory_space<vmem>>, vector<16xf32>,
      %mul3A_357 = arith.constant 192 : i32
      %mul3A_358 = arith.muli %scan3A_136, %mul3A_357 : i32
      %mul3A_359 = arith.constant 6 : i32
      %mul3A_360 = vector.broadcast %mul3A_359 : i32 to vector<16xi32>
      %mul3A_361 = arith.muli %shift_right_logical3A_82, %mul3A_360 : vector<16xi32>
      %add3A_362 = vector.broadcast %mul3A_358 : i32 to vector<16xi32>
      %add3A_363 = arith.addi %add3A_362, %mul3A_361 : vector<16xi32>
      %add3A_364 = arith.addi %add3A_363, %sub3A_86 : vector<16xi32>
      tpu.vector_store_idx %arg17[%add3A_364], %sub3A_350 : memref<24576xf32, #tpu.memory_space<vmem>>[vector<16xi32>], vector<16xf32>,
      %gather3A_365 = tpu.vector_load_idx %arg10[%add3A_343] : memref<24576xf32, #tpu.memory_space<vmem>>[vector<16xi32>], vector<16xf32>,
      %add3A_366 = arith.constant 3 : i32
      %add3A_367 = vector.broadcast %add3A_366 : i32 to vector<16xi32>
      %add3A_368 = arith.addi %add3A_364, %add3A_367 : vector<16xi32>
      tpu.vector_store_idx %arg17[%add3A_368], %gather3A_365 : memref<24576xf32, #tpu.memory_space<vmem>>[vector<16xi32>], vector<16xf32>,
      %gather3A_369 = tpu.vector_load_idx %arg15[%shift_right_logical3A_95] : memref<32xi32, #tpu.memory_space<vmem>>[vector<16xi32>], vector<16xi32>,
      %mul3A_370 = arith.constant 3 : i32
      %mul3A_371 = vector.broadcast %mul3A_370 : i32 to vector<16xi32>
      %mul3A_372 = arith.muli %gather3A_369, %mul3A_371 : vector<16xi32>
      %add3A_373 = arith.addi %mul3A_372, %sub3A_99 : vector<16xi32>
      %gather3A_374 = tpu.vector_load_idx %arg9[%add3A_373] : memref<24576xf32, #tpu.memory_space<vmem>>[vector<16xi32>], vector<16xf32>,
      %mul3A_375 = arith.constant 3 : i32
      %mul3A_376 = arith.muli %scan3A_136, %mul3A_375 : i32
      %add3A_377 = vector.broadcast %mul3A_376 : i32 to vector<16xi32>
      %add3A_378 = arith.addi %add3A_377, %sub3A_99 : vector<16xi32>
      %gather3A_379 = tpu.vector_load_idx %arg11[%add3A_378] : memref<384xf32, #tpu.memory_space<vmem>>[vector<16xi32>], vector<16xf32>,
      %sub3A_380 = arith.subf %gather3A_374, %gather3A_379 : vector<16xf32>
      %mul3A_381 = arith.constant 96 : i32
      %mul3A_382 = arith.muli %scan3A_136, %mul3A_381 : i32
      %add3A_383 = arith.constant 48 : i32
      %add3A_384 = arith.addi %mul3A_382, %add3A_383 : i32
      %swap3A_385 = arith.index_cast %add3A_384 : i32 to index
      %swap3A_386 = tpu.vector_load %arg16[%swap3A_385] {strides = array<i32>} : memref<12288xf32, #tpu.memory_space<vmem>>, vector<16xf32>,
      tpu.vector_store %arg16[%swap3A_385], %sub3A_380 {strides = array<i32>} : memref<12288xf32, #tpu.memory_space<vmem>>, vector<16xf32>,
      %mul3A_387 = arith.constant 192 : i32
      %mul3A_388 = arith.muli %scan3A_136, %mul3A_387 : i32
      %mul3A_389 = arith.constant 6 : i32
      %mul3A_390 = vector.broadcast %mul3A_389 : i32 to vector<16xi32>
      %mul3A_391 = arith.muli %shift_right_logical3A_95, %mul3A_390 : vector<16xi32>
      %add3A_392 = vector.broadcast %mul3A_388 : i32 to vector<16xi32>
      %add3A_393 = arith.addi %add3A_392, %mul3A_391 : vector<16xi32>
      %add3A_394 = arith.addi %add3A_393, %sub3A_99 : vector<16xi32>
      tpu.vector_store_idx %arg17[%add3A_394], %sub3A_380 : memref<24576xf32, #tpu.memory_space<vmem>>[vector<16xi32>], vector<16xf32>,
      %gather3A_395 = tpu.vector_load_idx %arg10[%add3A_373] : memref<24576xf32, #tpu.memory_space<vmem>>[vector<16xi32>], vector<16xf32>,
      %add3A_396 = arith.constant 3 : i32
      %add3A_397 = vector.broadcast %add3A_396 : i32 to vector<16xi32>
      %add3A_398 = arith.addi %add3A_394, %add3A_397 : vector<16xi32>
      tpu.vector_store_idx %arg17[%add3A_398], %gather3A_395 : memref<24576xf32, #tpu.memory_space<vmem>>[vector<16xi32>], vector<16xf32>,
      %gather3A_399 = tpu.vector_load_idx %arg15[%shift_right_logical3A_108] : memref<32xi32, #tpu.memory_space<vmem>>[vector<16xi32>], vector<16xi32>,
      %mul3A_400 = arith.constant 3 : i32
      %mul3A_401 = vector.broadcast %mul3A_400 : i32 to vector<16xi32>
      %mul3A_402 = arith.muli %gather3A_399, %mul3A_401 : vector<16xi32>
      %add3A_403 = arith.addi %mul3A_402, %sub3A_112 : vector<16xi32>
      %gather3A_404 = tpu.vector_load_idx %arg9[%add3A_403] : memref<24576xf32, #tpu.memory_space<vmem>>[vector<16xi32>], vector<16xf32>,
      %mul3A_405 = arith.constant 3 : i32
      %mul3A_406 = arith.muli %scan3A_136, %mul3A_405 : i32
      %add3A_407 = vector.broadcast %mul3A_406 : i32 to vector<16xi32>
      %add3A_408 = arith.addi %add3A_407, %sub3A_112 : vector<16xi32>
      %gather3A_409 = tpu.vector_load_idx %arg11[%add3A_408] : memref<384xf32, #tpu.memory_space<vmem>>[vector<16xi32>], vector<16xf32>,
      %sub3A_410 = arith.subf %gather3A_404, %gather3A_409 : vector<16xf32>
      %mul3A_411 = arith.constant 96 : i32
      %mul3A_412 = arith.muli %scan3A_136, %mul3A_411 : i32
      %add3A_413 = arith.constant 64 : i32
      %add3A_414 = arith.addi %mul3A_412, %add3A_413 : i32
      %swap3A_415 = arith.index_cast %add3A_414 : i32 to index
      %swap3A_416 = tpu.vector_load %arg16[%swap3A_415] {strides = array<i32>} : memref<12288xf32, #tpu.memory_space<vmem>>, vector<16xf32>,
      tpu.vector_store %arg16[%swap3A_415], %sub3A_410 {strides = array<i32>} : memref<12288xf32, #tpu.memory_space<vmem>>, vector<16xf32>,
      %mul3A_417 = arith.constant 192 : i32
      %mul3A_418 = arith.muli %scan3A_136, %mul3A_417 : i32
      %mul3A_419 = arith.constant 6 : i32
      %mul3A_420 = vector.broadcast %mul3A_419 : i32 to vector<16xi32>
      %mul3A_421 = arith.muli %shift_right_logical3A_108, %mul3A_420 : vector<16xi32>
      %add3A_422 = vector.broadcast %mul3A_418 : i32 to vector<16xi32>
      %add3A_423 = arith.addi %add3A_422, %mul3A_421 : vector<16xi32>
      %add3A_424 = arith.addi %add3A_423, %sub3A_112 : vector<16xi32>
      tpu.vector_store_idx %arg17[%add3A_424], %sub3A_410 : memref<24576xf32, #tpu.memory_space<vmem>>[vector<16xi32>], vector<16xf32>,
      %gather3A_425 = tpu.vector_load_idx %arg10[%add3A_403] : memref<24576xf32, #tpu.memory_space<vmem>>[vector<16xi32>], vector<16xf32>,
      %add3A_426 = arith.constant 3 : i32
      %add3A_427 = vector.broadcast %add3A_426 : i32 to vector<16xi32>
      %add3A_428 = arith.addi %add3A_424, %add3A_427 : vector<16xi32>
      tpu.vector_store_idx %arg17[%add3A_428], %gather3A_425 : memref<24576xf32, #tpu.memory_space<vmem>>[vector<16xi32>], vector<16xf32>,
      %gather3A_429 = tpu.vector_load_idx %arg15[%shift_right_logical3A_121] : memref<32xi32, #tpu.memory_space<vmem>>[vector<16xi32>], vector<16xi32>,
      %mul3A_430 = arith.constant 3 : i32
      %mul3A_431 = vector.broadcast %mul3A_430 : i32 to vector<16xi32>
      %mul3A_432 = arith.muli %gather3A_429, %mul3A_431 : vector<16xi32>
      %add3A_433 = arith.addi %mul3A_432, %sub3A_125 : vector<16xi32>
      %gather3A_434 = tpu.vector_load_idx %arg9[%add3A_433] : memref<24576xf32, #tpu.memory_space<vmem>>[vector<16xi32>], vector<16xf32>,
      %mul3A_435 = arith.constant 3 : i32
      %mul3A_436 = arith.muli %scan3A_136, %mul3A_435 : i32
      %add3A_437 = vector.broadcast %mul3A_436 : i32 to vector<16xi32>
      %add3A_438 = arith.addi %add3A_437, %sub3A_125 : vector<16xi32>
      %gather3A_439 = tpu.vector_load_idx %arg11[%add3A_438] : memref<384xf32, #tpu.memory_space<vmem>>[vector<16xi32>], vector<16xf32>,
      %sub3A_440 = arith.subf %gather3A_434, %gather3A_439 : vector<16xf32>
      %mul3A_441 = arith.constant 96 : i32
      %mul3A_442 = arith.muli %scan3A_136, %mul3A_441 : i32
      %add3A_443 = arith.constant 80 : i32
      %add3A_444 = arith.addi %mul3A_442, %add3A_443 : i32
      %swap3A_445 = arith.index_cast %add3A_444 : i32 to index
      %swap3A_446 = tpu.vector_load %arg16[%swap3A_445] {strides = array<i32>} : memref<12288xf32, #tpu.memory_space<vmem>>, vector<16xf32>,
      tpu.vector_store %arg16[%swap3A_445], %sub3A_440 {strides = array<i32>} : memref<12288xf32, #tpu.memory_space<vmem>>, vector<16xf32>,
      %mul3A_447 = arith.constant 192 : i32
      %mul3A_448 = arith.muli %scan3A_136, %mul3A_447 : i32
      %mul3A_449 = arith.constant 6 : i32
      %mul3A_450 = vector.broadcast %mul3A_449 : i32 to vector<16xi32>
      %mul3A_451 = arith.muli %shift_right_logical3A_121, %mul3A_450 : vector<16xi32>
      %add3A_452 = vector.broadcast %mul3A_448 : i32 to vector<16xi32>
      %add3A_453 = arith.addi %add3A_452, %mul3A_451 : vector<16xi32>
      %add3A_454 = arith.addi %add3A_453, %sub3A_125 : vector<16xi32>
      tpu.vector_store_idx %arg17[%add3A_454], %sub3A_440 : memref<24576xf32, #tpu.memory_space<vmem>>[vector<16xi32>], vector<16xf32>,
      %gather3A_455 = tpu.vector_load_idx %arg10[%add3A_433] : memref<24576xf32, #tpu.memory_space<vmem>>[vector<16xi32>], vector<16xf32>,
      %add3A_456 = arith.constant 3 : i32
      %add3A_457 = vector.broadcast %add3A_456 : i32 to vector<16xi32>
      %add3A_458 = arith.addi %add3A_454, %add3A_457 : vector<16xi32>
      tpu.vector_store_idx %arg17[%add3A_458], %gather3A_455 : memref<24576xf32, #tpu.memory_space<vmem>>[vector<16xi32>], vector<16xf32>,
      %scan3A_459 = arith.constant 0 : i32
      scf.yield %scan3A_459 : i32
    }
    %scan3A_131 = arith.constant 128 : i32
    %mul3A_132 = arith.constant 96 : i32
    %mul3A_133 = arith.muli %add3A_35, %mul3A_132 : i32
    "tpu.region"() ({
      %run_scoped3A = tpu.sem_alloc : memref<!tpu.dma_semaphore, #tpu.memory_space<semaphore_mem>>
      %dma_start3A = tpu.memref_slice %arg7[%mul3A_133] : memref<393216xf32, #tpu.memory_space<hbm>> -> memref<12288xf32, #tpu.memory_space<hbm>>
      %dma_start3A_136 = tpu.memref_slice %arg7[%mul3A_133] : memref<393216xf32, #tpu.memory_space<hbm>> -> memref<12288xf32, #tpu.memory_space<hbm>>
      tpu.enqueue_dma source(%arg16 : memref<12288xf32, #tpu.memory_space<vmem>>) target(%dma_start3A_136 : memref<12288xf32, #tpu.memory_space<hbm>>) target_semaphore(%run_scoped3A : memref<!tpu.dma_semaphore, #tpu.memory_space<semaphore_mem>>)
      %dma_wait3A = tpu.memref_slice %arg7[%mul3A_133] : memref<393216xf32, #tpu.memory_space<hbm>> -> memref<12288xf32, #tpu.memory_space<hbm>>
      %dma_wait3A_137 = tpu.memref_slice %arg7[%mul3A_133] : memref<393216xf32, #tpu.memory_space<hbm>> -> memref<12288xf32, #tpu.memory_space<hbm>>
      tpu.wait_dma2 semaphore(%run_scoped3A : memref<!tpu.dma_semaphore, #tpu.memory_space<semaphore_mem>>) src(%arg16 : memref<12288xf32, #tpu.memory_space<vmem>>) dst(%dma_wait3A_137 : memref<12288xf32, #tpu.memory_space<hbm>>)
      tpu.yield
    }) : () -> ()
    %mul3A_134 = arith.constant 192 : i32
    %mul3A_135 = arith.muli %add3A_35, %mul3A_134 : i32
    "tpu.region"() ({
      %run_scoped3A = tpu.sem_alloc : memref<!tpu.dma_semaphore, #tpu.memory_space<semaphore_mem>>
      %dma_start3A = tpu.memref_slice %arg8[%mul3A_135] : memref<786432xf32, #tpu.memory_space<hbm>> -> memref<24576xf32, #tpu.memory_space<hbm>>
      %dma_start3A_136 = tpu.memref_slice %arg8[%mul3A_135] : memref<786432xf32, #tpu.memory_space<hbm>> -> memref<24576xf32, #tpu.memory_space<hbm>>
      tpu.enqueue_dma source(%arg17 : memref<24576xf32, #tpu.memory_space<vmem>>) target(%dma_start3A_136 : memref<24576xf32, #tpu.memory_space<hbm>>) target_semaphore(%run_scoped3A : memref<!tpu.dma_semaphore, #tpu.memory_space<semaphore_mem>>)
      %dma_wait3A = tpu.memref_slice %arg8[%mul3A_135] : memref<786432xf32, #tpu.memory_space<hbm>> -> memref<24576xf32, #tpu.memory_space<hbm>>
      %dma_wait3A_137 = tpu.memref_slice %arg8[%mul3A_135] : memref<786432xf32, #tpu.memory_space<hbm>> -> memref<24576xf32, #tpu.memory_space<hbm>>
      tpu.wait_dma2 semaphore(%run_scoped3A : memref<!tpu.dma_semaphore, #tpu.memory_space<semaphore_mem>>) src(%arg17 : memref<24576xf32, #tpu.memory_space<vmem>>) dst(%dma_wait3A_137 : memref<24576xf32, #tpu.memory_space<hbm>>)
      tpu.yield
    }) : () -> ()
    return
  }
}

module attributes {stable_mosaic.version = 14 : i64} {
  func.func @_fps_body(%arg0: memref<8x8x1024xf32, #tpu.memory_space<vmem>>, %arg1: memref<8x8x1024xf32, #tpu.memory_space<vmem>>, %arg2: memref<8x8x1024xf32, #tpu.memory_space<vmem>>, %arg3: memref<8x512x3xf32, #tpu.memory_space<vmem>>) attributes {dimension_semantics = [], scalar_prefetch = 0 : i64, scratch_operands = 0 : i64, tpu.core_type = #tpu.core_type<tc>} {
    %get3A = arith.constant 0 : index
    %get3A_0 = arith.constant 0 : index
    %get3A_1 = arith.constant 0 : index
    %get3A_2 = vector.load %arg0[%get3A, %get3A_0, %get3A_1] : memref<8x8x1024xf32, #tpu.memory_space<vmem>>, vector<8x8x1024xf32>
    %get3A_3 = arith.constant 0 : index
    %get3A_4 = arith.constant 0 : index
    %get3A_5 = arith.constant 0 : index
    %get3A_6 = vector.load %arg1[%get3A_3, %get3A_4, %get3A_5] : memref<8x8x1024xf32, #tpu.memory_space<vmem>>, vector<8x8x1024xf32>
    %get3A_7 = arith.constant 0 : index
    %get3A_8 = arith.constant 0 : index
    %get3A_9 = arith.constant 0 : index
    %get3A_10 = vector.load %arg2[%get3A_7, %get3A_8, %get3A_9] : memref<8x8x1024xf32, #tpu.memory_space<vmem>>, vector<8x8x1024xf32>
    %iota3A = tpu.iota {dimensions = array<i32: 1>} : vector<8x8x1024xi32>
    %mul3A = arith.constant 1024 : i32
    %mul3A_11 = vector.broadcast %mul3A : i32 to vector<8x8x1024xi32>
    %mul3A_12 = arith.muli %iota3A, %mul3A_11 : vector<8x8x1024xi32>
    %iota3A_13 = tpu.iota {dimensions = array<i32: 2>} : vector<8x8x1024xi32>
    %add3A = arith.addi %mul3A_12, %iota3A_13 : vector<8x8x1024xi32>
    %iota3A_14 = tpu.iota {dimensions = array<i32: 2>} : vector<1x1x3xi32>
    %eq3A = arith.constant 0 : i32
    %eq3A_15 = vector.broadcast %eq3A : i32 to vector<1x1x3xi32>
    %eq3A_16 = arith.cmpi eq, %iota3A_14, %eq3A_15 : vector<1x1x3xi32>
    %convert_element_type3A = arith.extui %eq3A_16 : vector<1x1x3xi1> to vector<1x1x3xi32>
    %convert_element_type3A_17 = arith.sitofp %convert_element_type3A : vector<1x1x3xi32> to vector<1x1x3xf32>
    %eq3A_18 = arith.constant 1 : i32
    %eq3A_19 = vector.broadcast %eq3A_18 : i32 to vector<1x1x3xi32>
    %eq3A_20 = arith.cmpi eq, %iota3A_14, %eq3A_19 : vector<1x1x3xi32>
    %convert_element_type3A_21 = arith.extui %eq3A_20 : vector<1x1x3xi1> to vector<1x1x3xi32>
    %convert_element_type3A_22 = arith.sitofp %convert_element_type3A_21 : vector<1x1x3xi32> to vector<1x1x3xf32>
    %eq3A_23 = arith.constant 2 : i32
    %eq3A_24 = vector.broadcast %eq3A_23 : i32 to vector<1x1x3xi32>
    %eq3A_25 = arith.cmpi eq, %iota3A_14, %eq3A_24 : vector<1x1x3xi32>
    %convert_element_type3A_26 = arith.extui %eq3A_25 : vector<1x1x3xi1> to vector<1x1x3xi32>
    %convert_element_type3A_27 = arith.sitofp %convert_element_type3A_26 : vector<1x1x3xi32> to vector<1x1x3xf32>
    %slice3A = vector.extract_strided_slice %get3A_2 {offsets = [0, 0, 0], sizes = [8, 1, 1], strides = [1, 1, 1]} : vector<8x8x1024xf32> to vector<8x1x1xf32>
    %slice3A_28 = vector.extract_strided_slice %get3A_6 {offsets = [0, 0, 0], sizes = [8, 1, 1], strides = [1, 1, 1]} : vector<8x8x1024xf32> to vector<8x1x1xf32>
    %slice3A_29 = vector.extract_strided_slice %get3A_10 {offsets = [0, 0, 0], sizes = [8, 1, 1], strides = [1, 1, 1]} : vector<8x8x1024xf32> to vector<8x1x1xf32>
    %mul3A_30 = vector.broadcast %slice3A : vector<8x1x1xf32> to vector<8x1x3xf32>
    %mul3A_31 = vector.broadcast %convert_element_type3A_17 : vector<1x1x3xf32> to vector<8x1x3xf32>
    %mul3A_32 = arith.mulf %mul3A_30, %mul3A_31 : vector<8x1x3xf32>
    %mul3A_33 = vector.broadcast %slice3A_28 : vector<8x1x1xf32> to vector<8x1x3xf32>
    %mul3A_34 = vector.broadcast %convert_element_type3A_22 : vector<1x1x3xf32> to vector<8x1x3xf32>
    %mul3A_35 = arith.mulf %mul3A_33, %mul3A_34 : vector<8x1x3xf32>
    %add3A_36 = arith.addf %mul3A_32, %mul3A_35 : vector<8x1x3xf32>
    %mul3A_37 = vector.broadcast %slice3A_29 : vector<8x1x1xf32> to vector<8x1x3xf32>
    %mul3A_38 = vector.broadcast %convert_element_type3A_27 : vector<1x1x3xf32> to vector<8x1x3xf32>
    %mul3A_39 = arith.mulf %mul3A_37, %mul3A_38 : vector<8x1x3xf32>
    %add3A_40 = arith.addf %add3A_36, %mul3A_39 : vector<8x1x3xf32>
    %swap3A = arith.constant 0 : index
    %swap3A_41 = arith.constant 0 : index
    %swap3A_42 = arith.constant 0 : index
    %swap3A_43 = vector.load %arg3[%swap3A, %swap3A_41, %swap3A_42] : memref<8x512x3xf32, #tpu.memory_space<vmem>>, vector<8x1x3xf32>
    tpu.vector_store %arg3[%swap3A, %swap3A_41, %swap3A_42], %add3A_40 {strides = array<i32>} : memref<8x512x3xf32, #tpu.memory_space<vmem>>, vector<8x1x3xf32>,
    %broadcast_in_dim3A = arith.constant 0x7F800000 : f32
    %broadcast_in_dim3A_44 = vector.broadcast %broadcast_in_dim3A : f32 to vector<8x8x1024xf32>
    %scan3A = arith.constant 1 : i32
    %scan3A_45 = arith.constant 511 : i32
    %scan3A_46 = arith.addi %scan3A, %scan3A_45 : i32
    %scan3A_47 = arith.constant 1 : i32
    %scan3A_48:4 = scf.for %scan3A_50 = %scan3A to %scan3A_46 step %scan3A_47 iter_args(%scan3A_51 = %broadcast_in_dim3A_44, %scan3A_52 = %slice3A, %scan3A_53 = %slice3A_28, %scan3A_54 = %slice3A_29) -> (vector<8x8x1024xf32>, vector<8x1x1xf32>, vector<8x1x1xf32>, vector<8x1x1xf32>)  : i32 {
      %sub3A = vector.broadcast %scan3A_52 : vector<8x1x1xf32> to vector<8x8x1024xf32>
      %sub3A_55 = arith.subf %get3A_2, %sub3A : vector<8x8x1024xf32>
      %sub3A_56 = vector.broadcast %scan3A_53 : vector<8x1x1xf32> to vector<8x8x1024xf32>
      %sub3A_57 = arith.subf %get3A_6, %sub3A_56 : vector<8x8x1024xf32>
      %sub3A_58 = vector.broadcast %scan3A_54 : vector<8x1x1xf32> to vector<8x8x1024xf32>
      %sub3A_59 = arith.subf %get3A_10, %sub3A_58 : vector<8x8x1024xf32>
      %mul3A_60 = arith.mulf %sub3A_55, %sub3A_55 : vector<8x8x1024xf32>
      %mul3A_61 = arith.mulf %sub3A_57, %sub3A_57 : vector<8x8x1024xf32>
      %add3A_62 = arith.addf %mul3A_60, %mul3A_61 : vector<8x8x1024xf32>
      %mul3A_63 = arith.mulf %sub3A_59, %sub3A_59 : vector<8x8x1024xf32>
      %add3A_64 = arith.addf %add3A_62, %mul3A_63 : vector<8x8x1024xf32>
      %min3A = arith.minimumf %scan3A_51, %add3A_64 : vector<8x8x1024xf32>
      %reduce_max3A = arith.constant dense<0xFF800000> : vector<8xf32>
      %reduce_max3A_65 = vector.multi_reduction <maximumf>, %min3A, %reduce_max3A [1, 2] : vector<8x8x1024xf32> to vector<8xf32>
      %broadcast_in_dim3A_66 = vector.shape_cast %reduce_max3A_65 : vector<8xf32> to vector<8x1x1xf32>
      %eq3A_67 = vector.broadcast %broadcast_in_dim3A_66 : vector<8x1x1xf32> to vector<8x8x1024xf32>
      %eq3A_68 = arith.cmpf oeq, %min3A, %eq3A_67 : vector<8x8x1024xf32>
      %jit3A = arith.constant 8192 : i32
      %broadcast_in_dim3A_69 = vector.broadcast %jit3A : i32 to vector<8x8x1024xi32>
      %select_n3A = arith.select %eq3A_68, %add3A, %broadcast_in_dim3A_69 : vector<8x8x1024xi1>, vector<8x8x1024xi32>
      %reduce_min3A = arith.constant dense<2147483647> : vector<8xi32>
      %reduce_min3A_70 = vector.multi_reduction <minsi>, %select_n3A, %reduce_min3A [1, 2] : vector<8x8x1024xi32> to vector<8xi32>
      %broadcast_in_dim3A_71 = vector.shape_cast %reduce_min3A_70 : vector<8xi32> to vector<8x1x1xi32>
      %eq3A_72 = vector.broadcast %broadcast_in_dim3A_71 : vector<8x1x1xi32> to vector<8x8x1024xi32>
      %eq3A_73 = arith.cmpi eq, %add3A, %eq3A_72 : vector<8x8x1024xi32>
      %jit3A_74 = arith.constant 0.000000e+00 : f32
      %broadcast_in_dim3A_75 = vector.broadcast %jit3A_74 : f32 to vector<8x8x1024xf32>
      %select_n3A_76 = arith.select %eq3A_73, %get3A_2, %broadcast_in_dim3A_75 : vector<8x8x1024xi1>, vector<8x8x1024xf32>
      %reduce_sum3A = arith.constant dense<0.000000e+00> : vector<8xf32>
      %reduce_sum3A_77 = vector.multi_reduction <add>, %select_n3A_76, %reduce_sum3A [1, 2] : vector<8x8x1024xf32> to vector<8xf32>
      %broadcast_in_dim3A_78 = vector.shape_cast %reduce_sum3A_77 : vector<8xf32> to vector<8x1x1xf32>
      %jit3A_79 = arith.constant 0.000000e+00 : f32
      %broadcast_in_dim3A_80 = vector.broadcast %jit3A_79 : f32 to vector<8x8x1024xf32>
      %select_n3A_81 = arith.select %eq3A_73, %get3A_6, %broadcast_in_dim3A_80 : vector<8x8x1024xi1>, vector<8x8x1024xf32>
      %reduce_sum3A_82 = arith.constant dense<0.000000e+00> : vector<8xf32>
      %reduce_sum3A_83 = vector.multi_reduction <add>, %select_n3A_81, %reduce_sum3A_82 [1, 2] : vector<8x8x1024xf32> to vector<8xf32>
      %broadcast_in_dim3A_84 = vector.shape_cast %reduce_sum3A_83 : vector<8xf32> to vector<8x1x1xf32>
      %jit3A_85 = arith.constant 0.000000e+00 : f32
      %broadcast_in_dim3A_86 = vector.broadcast %jit3A_85 : f32 to vector<8x8x1024xf32>
      %select_n3A_87 = arith.select %eq3A_73, %get3A_10, %broadcast_in_dim3A_86 : vector<8x8x1024xi1>, vector<8x8x1024xf32>
      %reduce_sum3A_88 = arith.constant dense<0.000000e+00> : vector<8xf32>
      %reduce_sum3A_89 = vector.multi_reduction <add>, %select_n3A_87, %reduce_sum3A_88 [1, 2] : vector<8x8x1024xf32> to vector<8xf32>
      %broadcast_in_dim3A_90 = vector.shape_cast %reduce_sum3A_89 : vector<8xf32> to vector<8x1x1xf32>
      %mul3A_91 = vector.broadcast %broadcast_in_dim3A_78 : vector<8x1x1xf32> to vector<8x1x3xf32>
      %mul3A_92 = vector.broadcast %convert_element_type3A_17 : vector<1x1x3xf32> to vector<8x1x3xf32>
      %mul3A_93 = arith.mulf %mul3A_91, %mul3A_92 : vector<8x1x3xf32>
      %mul3A_94 = vector.broadcast %broadcast_in_dim3A_84 : vector<8x1x1xf32> to vector<8x1x3xf32>
      %mul3A_95 = vector.broadcast %convert_element_type3A_22 : vector<1x1x3xf32> to vector<8x1x3xf32>
      %mul3A_96 = arith.mulf %mul3A_94, %mul3A_95 : vector<8x1x3xf32>
      %add3A_97 = arith.addf %mul3A_93, %mul3A_96 : vector<8x1x3xf32>
      %mul3A_98 = vector.broadcast %broadcast_in_dim3A_90 : vector<8x1x1xf32> to vector<8x1x3xf32>
      %mul3A_99 = vector.broadcast %convert_element_type3A_27 : vector<1x1x3xf32> to vector<8x1x3xf32>
      %mul3A_100 = arith.mulf %mul3A_98, %mul3A_99 : vector<8x1x3xf32>
      %add3A_101 = arith.addf %add3A_97, %mul3A_100 : vector<8x1x3xf32>
      %swap3A_102 = arith.constant 0 : index
      %swap3A_103 = arith.index_cast %scan3A_50 : i32 to index
      %swap3A_104 = arith.constant 0 : index
      %swap3A_105 = vector.load %arg3[%swap3A_102, %swap3A_103, %swap3A_104] : memref<8x512x3xf32, #tpu.memory_space<vmem>>, vector<8x1x3xf32>
      tpu.vector_store %arg3[%swap3A_102, %swap3A_103, %swap3A_104], %add3A_101 {strides = array<i32>} : memref<8x512x3xf32, #tpu.memory_space<vmem>>, vector<8x1x3xf32>,
      scf.yield %min3A, %broadcast_in_dim3A_78, %broadcast_in_dim3A_84, %broadcast_in_dim3A_90 : vector<8x8x1024xf32>, vector<8x1x1xf32>, vector<8x1x1xf32>, vector<8x1x1xf32>
    }
    %scan3A_49 = arith.constant 511 : i32
    return
  }
}

module attributes {stable_mosaic.version = 14 : i64} {
  func.func @_dist_body(%arg0: i32, %arg1: i32, %arg2: memref<1x8x3xf32, #tpu.memory_space<vmem>>, %arg3: memref<1x3x8192xf32, #tpu.memory_space<vmem>>, %arg4: memref<1x8x8192xf32, #tpu.memory_space<vmem>>, %arg5: memref<1x8x1xf32, #tpu.memory_space<vmem>>) attributes {dimension_semantics = [#tpu.dimension_semantics<arbitrary>, #tpu.dimension_semantics<arbitrary>], iteration_bounds = array<i64: 8, 64>, scalar_prefetch = 0 : i64, scratch_operands = 0 : i64, tpu.core_type = #tpu.core_type<tc>, window_params = [{transform_indices = @transform_0, window_bounds = array<i64: 1, 8, 3>}, {transform_indices = @transform_1, window_bounds = array<i64: 1, 3, 8192>}, {transform_indices = @transform_2, window_bounds = array<i64: 1, 8, 8192>}, {transform_indices = @transform_3, window_bounds = array<i64: 1, 8, 1>}]} {
    %get3A = arith.constant 0 : index
    %get3A_0 = arith.constant 0 : index
    %get3A_1 = arith.constant 0 : index
    %get3A_2 = vector.load %arg3[%get3A, %get3A_0, %get3A_1] : memref<1x3x8192xf32, #tpu.memory_space<vmem>>, vector<1x3x8192xf32>
    %get3A_3 = vector.shape_cast %get3A_2 : vector<1x3x8192xf32> to vector<3x8192xf32>
    %get3A_4 = arith.constant 0 : index
    %get3A_5 = arith.constant 0 : index
    %get3A_6 = arith.constant 0 : index
    %get3A_7 = vector.load %arg2[%get3A_4, %get3A_5, %get3A_6] : memref<1x8x3xf32, #tpu.memory_space<vmem>>, vector<1x8x3xf32>
    %get3A_8 = vector.shape_cast %get3A_7 : vector<1x8x3xf32> to vector<8x3xf32>
    %convert_element_type3A = arith.truncf %get3A_8 : vector<8x3xf32> to vector<8x3xbf16>
    %convert_element_type3A_9 = arith.truncf %get3A_3 : vector<3x8192xf32> to vector<3x8192xbf16>
    %dot_general3A = arith.constant dense<0.000000e+00> : vector<8x8192xf32>
    %dot_general3A_10 = tpu.matmul %convert_element_type3A, %convert_element_type3A_9, %dot_general3A {dimension_numbers = #tpu.dot_dimension_numbers<[1], [0], [0], [1], [0, 0, 1, 1], [], []>, transpose_lhs_hint = false} : vector<8x3xbf16>, vector<3x8192xbf16>, vector<8x8192xf32> -> vector<8x8192xf32>
    %slice3A = vector.extract_strided_slice %get3A_8 {offsets = [0, 0], sizes = [8, 1], strides = [1, 1]} : vector<8x3xf32> to vector<8x1xf32>
    %slice3A_11 = vector.extract_strided_slice %get3A_8 {offsets = [0, 1], sizes = [8, 1], strides = [1, 1]} : vector<8x3xf32> to vector<8x1xf32>
    %slice3A_12 = vector.extract_strided_slice %get3A_8 {offsets = [0, 2], sizes = [8, 1], strides = [1, 1]} : vector<8x3xf32> to vector<8x1xf32>
    %mul3A = arith.mulf %slice3A, %slice3A : vector<8x1xf32>
    %mul3A_13 = arith.mulf %slice3A_11, %slice3A_11 : vector<8x1xf32>
    %add3A = arith.addf %mul3A, %mul3A_13 : vector<8x1xf32>
    %mul3A_14 = arith.mulf %slice3A_12, %slice3A_12 : vector<8x1xf32>
    %add3A_15 = arith.addf %add3A, %mul3A_14 : vector<8x1xf32>
    %slice3A_16 = vector.extract_strided_slice %get3A_3 {offsets = [0, 0], sizes = [1, 8192], strides = [1, 1]} : vector<3x8192xf32> to vector<1x8192xf32>
    %slice3A_17 = vector.extract_strided_slice %get3A_3 {offsets = [1, 0], sizes = [1, 8192], strides = [1, 1]} : vector<3x8192xf32> to vector<1x8192xf32>
    %slice3A_18 = vector.extract_strided_slice %get3A_3 {offsets = [2, 0], sizes = [1, 8192], strides = [1, 1]} : vector<3x8192xf32> to vector<1x8192xf32>
    %mul3A_19 = arith.mulf %slice3A_16, %slice3A_16 : vector<1x8192xf32>
    %mul3A_20 = arith.mulf %slice3A_17, %slice3A_17 : vector<1x8192xf32>
    %add3A_21 = arith.addf %mul3A_19, %mul3A_20 : vector<1x8192xf32>
    %mul3A_22 = arith.mulf %slice3A_18, %slice3A_18 : vector<1x8192xf32>
    %add3A_23 = arith.addf %add3A_21, %mul3A_22 : vector<1x8192xf32>
    %mul3A_24 = arith.constant -2.000000e+00 : f32
    %mul3A_25 = vector.broadcast %mul3A_24 : f32 to vector<8x8192xf32>
    %mul3A_26 = arith.mulf %mul3A_25, %dot_general3A_10 : vector<8x8192xf32>
    %add3A_27 = vector.broadcast %add3A_15 : vector<8x1xf32> to vector<8x8192xf32>
    %add3A_28 = arith.addf %mul3A_26, %add3A_27 : vector<8x8192xf32>
    %add3A_29 = vector.broadcast %add3A_23 : vector<1x8192xf32> to vector<8x8192xf32>
    %add3A_30 = arith.addf %add3A_28, %add3A_29 : vector<8x8192xf32>
    %swap3A = arith.constant 0 : index
    %swap3A_31 = arith.constant 0 : index
    %swap3A_32 = arith.constant 0 : index
    %swap3A_33 = vector.load %arg4[%swap3A, %swap3A_31, %swap3A_32] : memref<1x8x8192xf32, #tpu.memory_space<vmem>>, vector<1x8x8192xf32>
    %swap3A_34 = vector.shape_cast %swap3A_33 : vector<1x8x8192xf32> to vector<8x8192xf32>
    %swap3A_35 = vector.shape_cast %add3A_30 : vector<8x8192xf32> to vector<1x8x8192xf32>
    tpu.vector_store %arg4[%swap3A, %swap3A_31, %swap3A_32], %swap3A_35 {strides = array<i32>} : memref<1x8x8192xf32, #tpu.memory_space<vmem>>, vector<1x8x8192xf32>,
    %reshape3A = vector.shape_cast %add3A_30 : vector<8x8192xf32> to vector<8x32x256xf32>
    %reduce_min3A = arith.constant dense<0x7F800000> : vector<8x32xf32>
    %reduce_min3A_36 = vector.multi_reduction <minimumf>, %reshape3A, %reduce_min3A [2] : vector<8x32x256xf32> to vector<8x32xf32>
    %reduce_max3A = arith.constant dense<0xFF800000> : vector<8xf32>
    %reduce_max3A_37 = vector.multi_reduction <maximumf>, %reduce_min3A_36, %reduce_max3A [1] : vector<8x32xf32> to vector<8xf32>
    %broadcast_in_dim3A = vector.shape_cast %reduce_max3A_37 : vector<8xf32> to vector<8x1xf32>
    %swap3A_38 = arith.constant 0 : index
    %swap3A_39 = arith.constant 0 : index
    %swap3A_40 = arith.constant 0 : index
    %swap3A_41 = vector.load %arg5[%swap3A_38, %swap3A_39, %swap3A_40] : memref<1x8x1xf32, #tpu.memory_space<vmem>>, vector<1x8x1xf32>
    %swap3A_42 = vector.shape_cast %swap3A_41 : vector<1x8x1xf32> to vector<8x1xf32>
    %swap3A_43 = vector.shape_cast %broadcast_in_dim3A : vector<8x1xf32> to vector<1x8x1xf32>
    tpu.vector_store %arg5[%swap3A_38, %swap3A_39, %swap3A_40], %swap3A_43 {strides = array<i32>} : memref<1x8x1xf32, #tpu.memory_space<vmem>>, vector<1x8x1xf32>,
    return
  }
  func.func @transform_0(%arg0: i32, %arg1: i32) -> (i32, i32, i32) {
    %c0_i32 = arith.constant 0 : i32
    %c0_i32_0 = arith.constant 0 : i32
    return %arg0, %arg1, %c0_i32 : i32, i32, i32
  }
  func.func @transform_1(%arg0: i32, %arg1: i32) -> (i32, i32, i32) {
    %c0_i32 = arith.constant 0 : i32
    %c0_i32_0 = arith.constant 0 : i32
    %c0_i32_1 = arith.constant 0 : i32
    return %arg0, %c0_i32, %c0_i32_0 : i32, i32, i32
  }
  func.func @transform_2(%arg0: i32, %arg1: i32) -> (i32, i32, i32) {
    %c0_i32 = arith.constant 0 : i32
    %c0_i32_0 = arith.constant 0 : i32
    return %arg0, %arg1, %c0_i32 : i32, i32, i32
  }
  func.func @transform_3(%arg0: i32, %arg1: i32) -> (i32, i32, i32) {
    %c0_i32 = arith.constant 0 : i32
    %c0_i32_0 = arith.constant 0 : i32
    return %arg0, %arg1, %c0_i32 : i32, i32, i32
  }
}

</mosaic_0001>

<sc_bundles>
// kernel: kernel.5.cloned.1.call-start
scs
__scs_entry_jumppad:
0x0: {  	(pc) =	sbr.rel $0x88, $3  }
0x1: {  	(tag) =	ssettag $0x0;
	lr =	simm.s32 $0x1  }
0x2: {  	[smem:$0x3F9F] =	sst lr;
	_ =	strace $0xD0000000  }
0x3: {  	_ = 	snop  }
0x4: {  	_ = 	snop  }
0x5: {  	_ = 	snop  }
0x6: {  	_ = 	snop  }
0x7: {  	_ = 	snop  }
__scs_overlays_trampoline_lowered:
0x8: {  	[smem:$0x3FAE] =	sst s0  }
0x9: {  	[smem:$0x3FAF] =	sst s1  }
0xa: {  	[smem:$0x3FB0] =	sst s2  }
0xb: {  	[smem:$0x3FB1] =	sst s3  }
0xc: {  	[smem:$0x3FB2] =	sst s4  }
0xd: {  	[smem:$0x3FB3] =	sst s5  }
0xe: {  	[smem:$0x3FB4] =	sst s6  }
0xf: {  	[smem:$0x3FB5] =	sst s7  }
0x10: {  	[smem:$0x3FB6] =	sst s8  }
0x11: {  	[smem:$0x3FB7] =	sst s9;
	s0 =	simm.s32 @!p0 $0x0  }
0x12: {  	s1 =	sld [smem:$0x3F9D];
	s0 =	simm.s32 @p0 $0x1  }
0x13: {  	[smem:$0x3FB8] =	sst s0;
	s0 =	simm.s32 @!p1 $0x0  }
0x14: {  	s2 =	sld [smem:$0x3F9C];
	s0 =	simm.s32 @p1 $0x1  }
0x15: {  	[smem:$0x3FB9] =	sst s0;
	s0 =	simm.s32 @!p2 $0x0  }
0x16: {  	s3 =	sld [smem:$0x3FDB];
	s0 =	simm.s32 @p2 $0x1  }
0x17: {  	s4 =	simm.s32 $0x1BF5;
	[smem:$0x3FBB] =	sst s0  }
0x18: {  	s0 =	sld [smem:$0x3F9E];
	_ =	swait.ge [sflag:s4], $0x0  }
0x19: {  	s7 =	sld [smem:$0x3F9F]  }
0x1a: {  	s8 =	sadd.s32 $0xFFFFE003, lr  }
0x1b: {  	s9 =	sadd.s32 $0xFFFFFEF7, lr;
	s5 =	simm.s32 $0xFFFFFFFF;
	p2 =	slt.u32 s8, $0xFFFFF086  }
0x1c: {  	p1 =	slt.u32 s9, $0xF7A;
	s5 =	simm.s32 @!p2 $0x0  }
0x1d: {  	s5 =	simm.s32 @p1 $0x1;
	p0 =	seq.s32 s7, s2  }
0x1e: {  	s7 =	smul.u32 @!p0 $0xF7A, s2;
	p2 =	seq.s32 @!p0 s5, $0x0  }
0x1f: {  	s9 =	smul.u32 $0xF7A, s1;
	s8 =	simm.s32 @!p0 $0x1BF5;
	p2 =	por !p2, p0  }
0x20: {  	[sflag:s8] =	ssyncset.s32 @!p0 $0xFFFFF086;
	s6 =	sadd.s32 @!p0 s3, s7;
	s7 =	simm.s32 @!p0 $0x108  }
0x21: {  	s3 =	sadd.s32 s3, s9;
	s6 =	sadd.s32 @!p0 $0x88, s6;
	s7 =	simm.s32 @p2 $0x1082  }
0x22: {  	[simem:s7], [sflag:s8] =	dma.local @!p0 [hbm:s6], $0xF7A  }
0x23: {  	s9 =	sor.u32 $0xD0000000, s2;
	s6 =	simm.s32 $0x108;
	_ =	swait.ge @!p0 [sflag:s8], $0x0  }
0x24: {  	s3 =	sadd.s32 $0x88, s3;
	s6 =	simm.s32 @!p1 $0x1082;
	[sflag:s4] =	ssyncset.s32 $0xFFFFF086  }
0x25: {  	[simem:s6], [sflag:s4] =	dma.local [hbm:s3], $0xF7A  }
0x26: {  	[smem:$0x3F9F] =	sst s1;
	(tag) =	ssettag s2;
	_ =	strace s9  }
0x27: {  	s1 =	sld [smem:$0x3FAF]  }
0x28: {  	s2 =	sld [smem:$0x3FB0]  }
0x29: {  	s4 =	sld [smem:$0x3FB2]  }
0x2a: {  	p0 =	seq.s32 s5, $0x0;
	s5 =	sld [smem:$0x3FB3]  }
0x2b: {  	s6 =	sld [smem:$0x3FB4]  }
0x2c: {  	s7 =	sld [smem:$0x3FB5]  }
0x2d: {  	s3 =	simm.s32 $0x108;
	s8 =	sld [smem:$0x3FB6]  }
0x2e: {  	s3 =	simm.s32 @!p0 $0x1082;
	s9 =	sld [smem:$0x3FB7]  }
0x2f: {  	lr =	sadd.s32 s0, s3;
	s0 =	sld [smem:$0x3FAE]  }
0x30: {  	s3 =	sld [smem:$0x3FB1]  }
0x31: {  	[smem:$0x3FBA] =	sst s10  }
0x32: {  	s10 =	sld [smem:$0x3FB8];
	_ =	sdelay $0x3  }
0x33: {  	p0 =	seq.s32 s10, $0x1;
	s10 =	sld [smem:$0x3FBA];
	_ =	sdelay $0x3  }
0x34: {  	[smem:$0x3FBA] =	sst s10  }
0x35: {  	s10 =	sld [smem:$0x3FB9];
	_ =	sdelay $0x3  }
0x36: {  	p1 =	seq.s32 s10, $0x1;
	s10 =	sld [smem:$0x3FBA];
	_ =	sdelay $0x3  }
0x37: {  	[smem:$0x3FBA] =	sst s10  }
0x38: {  	s10 =	sld [smem:$0x3FBB]  }
0x39: {  	_ = 	snop;
	(pc) =	sbr.ind lr, $3  }
0x3a: {  	_ = 	snop  }
0x3b: {  	_ = 	snop  }
0x3c: {  	p2 =	seq.s32 s10, $0x1;
	s10 =	sld [smem:$0x3FBA]  }
0x3d: {  	_ =	shalt  }
0x3e: {  	_ =	shalt  }
0x3f: {  	_ =	shalt  }
0x40: {  	_ =	shalt  }
0x41: {  	_ =	shalt  }
0x42: {  	_ =	shalt  }
0x43: {  	_ =	shalt  }
0x44: {  	_ =	shalt  }
0x45: {  	_ =	shalt  }
0x46: {  	_ =	shalt  }
0x47: {  	_ =	shalt  }
0x48: {  	_ =	shalt  }
0x49: {  	_ =	shalt  }
0x4a: {  	_ =	shalt  }
0x4b: {  	_ =	shalt  }
0x4c: {  	_ =	shalt  }
0x4d: {  	_ =	shalt  }
0x4e: {  	_ =	shalt  }
0x4f: {  	_ =	shalt  }
0x50: {  	_ =	shalt  }
0x51: {  	_ =	shalt  }
0x52: {  	_ =	shalt  }
0x53: {  	_ =	shalt  }
0x54: {  	_ =	shalt  }
0x55: {  	_ =	shalt  }
0x56: {  	_ =	shalt  }
0x57: {  	_ =	shalt  }
0x58: {  	_ =	shalt  }
0x59: {  	_ =	shalt  }
0x5a: {  	_ =	shalt  }
0x5b: {  	_ =	shalt  }
0x5c: {  	_ =	shalt  }
0x5d: {  	_ =	shalt  }
0x5e: {  	_ =	shalt  }
0x5f: {  	_ =	shalt  }
0x60: {  	_ =	shalt  }
0x61: {  	_ =	shalt  }
0x62: {  	_ =	shalt  }
0x63: {  	_ =	shalt  }
0x64: {  	_ =	shalt  }
0x65: {  	_ =	shalt  }
0x66: {  	_ =	shalt  }
0x67: {  	_ =	shalt  }
0x68: {  	_ =	shalt  }
0x69: {  	_ =	shalt  }
0x6a: {  	_ =	shalt  }
0x6b: {  	_ =	shalt  }
0x6c: {  	_ =	shalt  }
0x6d: {  	_ =	shalt  }
0x6e: {  	_ =	shalt  }
0x6f: {  	_ =	shalt  }
0x70: {  	_ =	shalt  }
0x71: {  	_ =	shalt  }
0x72: {  	_ =	shalt  }
0x73: {  	_ =	shalt  }
0x74: {  	_ =	shalt  }
0x75: {  	_ =	shalt  }
0x76: {  	_ =	shalt  }
0x77: {  	_ =	shalt  }
0x78: {  	_ =	shalt  }
0x79: {  	_ =	shalt  }
0x7a: {  	_ =	shalt  }
0x7b: {  	_ =	shalt  }
0x7c: {  	_ =	shalt  }
0x7d: {  	_ =	shalt  }
0x7e: {  	_ =	shalt  }
0x7f: {  	_ =	shalt  }
0x80: {  	_ =	shalt  }
0x81: {  	_ =	shalt  }
0x82: {  	_ =	shalt  }
0x83: {  	_ =	shalt  }
0x84: {  	_ =	shalt  }
0x85: {  	_ =	shalt  }
0x86: {  	_ =	shalt  }
0x87: {  	_ =	shalt  }
.Lfunc_end0:
.L_simem_size_0:
called_computation.1_lowered:
.L_overlay_start_0:
0x88: {  	s2 =	sld [smem:$0x3FD9]  }
0x89: {  	s3 =	sld [smem:$0x3FFE];
	_ =	sdelay $0x1  }
0x8a: {  	s1 =	srdreg.scid  }
0x8b: {  	s0 =	sand.u32 $0x1, s1  }
0x8c: {  	s14 =	sshll.u32 s0, $0xA;
	s2 =	sadd.s32 s3, s2  }
0x8d: {  	s2 =	sadd.s32 s2, s14  }
0x8e: {  	[smem:$0x3FC6] =	sst s2  }
0x8f: {  	_ = 	snop  }
0x90: {  	s2 =	sld [smem:$0x3FD0];
	_ =	sdelay $0x2  }
0x91: {  	s15 =	simm.s32 $0xA;
	s4 =	simm.s32 $0x10  }
0x92: {  	[smem:s4], [sflag:s15] =	dma.local [hbm:s2], $0x1  }
0x93: {  	_ =	swait.eq [sflag:s15], $0x1  }
0x94: {  	[sflag:s15] =	ssyncset.done $0x0  }
0x95: {  	s16 =	sld [smem:$0x10];
	[sflag:s15] =	ssyncadd.s32 $0xFFFFFFFF  }
0x96: {  	s17 =	sld [smem:$0x12];
	(tm) =	ssettm $0x1  }
0x97: {  	s18 =	sld [smem:$0x3FFB];
	_ =	sdelay $0x3  }
0x98: {  	_ =	strace s18  }
0x99: {  	s4 =	sld [smem:$0x3FFC];
	_ =	sdelay $0x3  }
0x9a: {  	_ =	strace s4  }
0x9b: {  	s4 =	sld [smem:$0x3FFD];
	_ =	sdelay $0x3  }
0x9c: {  	_ =	strace s4  }
0x9d: {  	_ =	strace $0x8FFFFFFF  }
0x9e: {  	s19 =	sld [smem:$0x3FDB];
	_ =	sdelay $0x1  }
0x9f: {  	s5 =	simm.s32 $_scs_section_size  }
0xa0: {  	s6 =	simm.s32 $_size__tile_overlayer_lowered;
	s7 =	simm.s32 $_tile_overlayer_lowered  }
0xa1: {  	s22 =	simm.s32 $0x1BFF;
	s21 =	sshll.u32 s7, $0x1;
	s4 =	sadd.s32 s5, s19  }
0xa2: {  	s8 =	simm.s32 $0x0;
	s20 =	sshll.u32 s6, $0x1;
	s6 =	sadd.s32 s21, s4  }
0xa3: {  	[timem:s8], [sflag:s22] =	dma.local [hbm:s6], s20  }
0xa4: {  	_ =	swait.ge [sflag:s22], s20  }
0xa5: {  	s5 =	ssub.s32 $0x0, s20;
	[sflag:s22] =	ssyncset.done $0x0  }
0xa6: {  	[sflag:s22] =	ssyncadd.s32 s5;
	_ =	sdelay $0x1  }
0xa7: {  	s23 =	simm.s32 $0x1B8B  }
0xa8: {  	_ =	swait.ge [sflag:s23], $0x1  }
0xa9: {  	[sflag:s23] =	ssyncset.done $0x0  }
0xaa: {  	s25 =	simm.s32 $0x1B8E;
	s24 =	sld [smem:$0x3FFE];
	[sflag:s23] =	ssyncadd.s32 $0xFFFFFFFF  }
0xab: {  	s26 =	simm.s32 $execute0_lowered;
	[smem:$0x3FD2] =	sst s25  }
0xac: {  	s6 =	sshll.u32 s26, $0x1;
	_ =	strace $0x80000049;
	[dreg:$0x1] =	wrdreg $0xFFFFFFFF  }
0xad: {  	s28 =	simm.s32 $_size_execute0_lowered;
	s4 =	sadd.s32 s4, s6;
	[dreg:$0x0] =	wrdreg $0x0  }
0xae: {  	s6 =	sshll.u32 s28, $0x1;
	[dreg:$0x2] =	wrdreg s4  }
0xaf: {  	[dreg:$0x3] =	wrdreg s6  }
0xb0: {  	[dreg:$0x4] =	wrdreg $0xC0  }
0xb1: {  	_ =	task [dreg:s8], $0x5FFFF  }
0xb2: {  	[dreg:$0x1] =	wrdreg $0xFFFFFFFF  }
0xb3: {  	[dreg:$0x0] =	wrdreg $0x60  }
0xb4: {  	[dreg:$0x2] =	wrdreg s24  }
0xb5: {  	[dreg:$0x3] =	wrdreg s16  }
0xb6: {  	[dreg:$0x4] =	wrdreg s17  }
0xb7: {  	[dreg:$0x5] =	wrdreg $0x9  }
0xb8: {  	_ =	task.clear_ibuf [dreg:s8], $0x6FFFF;
	_ =	strace $0x90000049  }
0xb9: {  	s29 =	simm.s32 $0x9;
	_ =	strace $0x8000004B  }
0xba: {  	_ =	swait.ge [sflag:s29], $0x1  }
0xbb: {  	[sflag:s29] =	ssyncadd.s32 $0xFFFFFFFF  }
0xbc: {  	_ =	strace $0x9000004B  }
0xbd: {  	_ =	sfence  }
0xbe: {  	s30 =	sld [smem:$0x0];
	_ =	sdelay $0x2  }
0xbf: {  	s31 =	sshll.u32 s1, $0xD;
	s1 =	sshrl.u32 s1, $0x2  }
0xc0: {  	s3 =	sand.u32 $0x4000, s31;
	s1 =	sadd.s32 s1, s30  }
0xc1: {  	s0 =	sor.u32 s3, s0;
	s1 =	sshll.u32 s1, $0x11  }
0xc2: {  	s0 =	sor.u32 s1, s0  }
0xc3: {  	s0 =	sadd.s32 $0x8F2B, s0  }
0xc4: {  	[sflag:s0] =	ssyncadd.remote.s32 $0x1  }
0xc5: {  	_ =	sfence.sel $0xFFFF  }
0xc6: {  	[dreg:$0x0] =	wrdreg $0xFFFFFFFF;
	(pc) =	sbr.abs _section_cstart, $3  }
0xc7: {  	[dreg:$0x1] =	wrdreg $0xFFFFFFFF  }
0xc8: {  	_ =	task.clear_ibuf [dreg:s8], $0x2FFFF;
	_ =	strace $0x9FFFFFFF  }
0xc9: {  	(tm) =	ssettm $0x7FFFFFFF  }
tec
execute0_lowered:
.L_overlay_start_1:
0x0: {  	(tag) =	ssettag $0x1  }
0x1: {  	v0 =	vimm.s32 $0xEDCBA987  }
0x2: {  	v1 =	vimm.s32 $0xFEA540;
	v2 =	vimm.s32 $0x65432100;
	vm0 =	vcmask $0x300  }
0x3: {  	v4 =	vimm.f32 $1.000000000e+00;
	vm8 =	vcmask $0x2F00;
	v6 =	vimm.s32 $0xFBA9543  }
0x4: {  	v7 =	vimm.s32 $0xDC876210;
	vm1 =	vcmask $0x1F10;
	vm9 =	vcmask $0x1B00  }
0x5: {  	vm10 =	vcmask $0x2B1C;
	vm2 =	vcmask $0x1F00;
	vm3 =	vcmask $0x3B2C  }
0x6: {  	v8 =	vimm.s32 $0x9080808;
	v9 =	vimm.s32 $0x36323130;
	v11 =	vimm.s32 $0x3D3C3837  }
0x7: {  	vm11 =	vcmask $0x2F20;
	v12 =	vimm.s32 $0x2F2E2D29;
	v14 =	vimm.s32 $0x4443423E  }
0x8: {  	v15 =	vimm.s32 $0x4E4A4948;
	v16 =	vimm.s32 $0x58575352;
	v17 =	vimm.s32 $0x5F5E5D59  }
0x9: {  	vm12 =	vcmask $0xF00;
	v18 =	vimm.s32 $0x706F6B6A;
	v19 =	vimm.s32 $0x77767571  }
0xa: {  	v20 =	vimm.s32 $0x16161515;
	v21 =	vimm.s32 $0x8C8B8A86;
	v23 =	vimm.s32 $0x8F8E8D89  }
0xb: {  	v24 =	vimm.s32 $0x1B1B1B1A;
	v25 =	vimm.s32 $0x1D1C1C1C;
	v26 =	vimm.s32 $0xB5B4B0AF  }
0xc: {  	v27 =	vimm.s32 $0xBCBBBAB6;
	v29 =	vimm.s32 $0xB1ADACAB;
	vm13 =	vcmask $0x3B30  }
0xd: {  	vm14 =	vcmask $0x3730;
	v31 =	vimm.s32 $0x92492492;
	vm15 =	vcmask $0x3330  }
0xe: {  	v0 =	vunpack.c.l.s4.s8 v0;
	v1 =	vunpack.c.l.s2.s4 v1;
	v2 =	vunpack.c.l.s4.s8 v2  }
0xf: {  	v6 =	vunpack.c.l.s4.s8 v6;
	v8 =	vunpack.c.0.s8.s32 v8;
	v9 =	vunpack.c.0.s8.s32 v9  }
0x10: {  	v11 =	vunpack.c.0.s8.s32 v11;
	v0 =	vunpack.c.0.s8.s32 v0;
	v1 =	vunpack.c.l.s4.s8 v1  }
0x11: {  	v14 =	vunpack.c.0.s8.s32 v14;
	v15 =	vunpack.c.0.s8.s32 v15;
	v2 =	vunpack.c.0.s8.s32 v2  }
0x12: {  	v16 =	vunpack.c.0.s8.s32 v16;
	v3 =	vand.u32 $0xF, v0;
	v5 =	vunpack.c.0.s8.s32 v1  }
0x13: {  	v17 =	vunpack.c.0.s8.s32 v17;
	v1 =	vcombine.low v2, v3;
	v2 =	vsel vm0, $0x0, v4  }
0x14: {  	v4 =	vimm.s32 $0x1413120E;
	v3 =	vand.u32 $0x3, v5;
	v5 =	vimm.s32 $0x1E1A1918  }
0x15: {  	v18 =	vunpack.c.0.s8.s32 v18;
	v4 =	vunpack.c.0.s8.s32 v4;
	v5 =	vunpack.c.0.s8.s32 v5  }
0x16: {  	v19 =	vunpack.c.0.s8.s32 v19;
	v23 =	vunpack.c.0.s8.s32 v23;
	v10 =	vnsel vm8, $0x5, v3  }
0x17: {  	v4 =	vsel vm1, v5, v4;
	v5 =	vunpack.c.0.s8.s32 v6;
	v6 =	vimm.s32 $0x77766655  }
0x18: {  	v3 =	vunpack.c.l.s4.s8 v7;
	v7 =	vimm.s32 $0x10161511;
	v6 =	vunpack.c.l.s4.s8 v6  }
0x19: {  	v24 =	vunpack.c.0.s8.s32 v24;
	v7 =	vunpack.c.0.s8.s32 v7;
	v5 =	vand.u32 $0xF, v5  }
0x1a: {  	v25 =	vunpack.c.0.s8.s32 v25;
	v5 =	vnsel vm9, $0x21, v5;
	v6 =	vunpack.c.0.s8.s32 v6  }
0x1b: {  	v3 =	vunpack.c.0.s8.s32 v3;
	v5 =	vsel vm10, v7, v5;
	v7 =	vimm.s32 $0x171D1C1B  }
0x1c: {  	v26 =	vunpack.c.0.s8.s32 v26;
	v7 =	vunpack.c.0.s8.s32 v7;
	v6 =	vand.u32 $0xF, v6  }
0x1d: {  	v27 =	vunpack.c.0.s8.s32 v27;
	v3 =	vand.u32 $0xF, v3;
	v6 =	vnsel vm2, $0xA, v6  }
0x1e: {  	v3 =	vcombine.low v3, v4;
	v4 =	vsel vm3, v7, v5;
	v13 =	vsel vm11, v8, v6  }
0x1f: {  	v5 =	vsel vm1, v11, v9;
	v6 =	vimm.s32 $0x2524201F;
	v7 =	vimm.s32 $0x2C2B2A26  }
0x20: {  	v8 =	vimm.s32 $0xDCCCBBBA;
	v6 =	vunpack.c.0.s8.s32 v6;
	v7 =	vunpack.c.0.s8.s32 v7  }
0x21: {  	v9 =	vimm.s32 $0x39353433;
	v11 =	vimm.s32 $0x403F3B3A;
	v8 =	vunpack.c.l.s4.s8 v8  }
0x22: {  	v6 =	vsel vm1, v7, v6;
	v7 =	vunpack.c.0.s8.s32 v9;
	v9 =	vunpack.c.0.s8.s32 v11  }
0x23: {  	v11 =	vimm.s32 $0x28272322;
	v8 =	vunpack.c.0.s8.s32 v8;
	v5 =	vcombine.low v6, v5  }
0x24: {  	v6 =	vunpack.c.0.s8.s32 v11;
	v11 =	vunpack.c.0.s8.s32 v12;
	v12 =	vimm.s32 $0x5C5B5A56  }
0x25: {  	v7 =	vsel vm1, v9, v7;
	v8 =	vand.u32 $0xF, v8;
	v9 =	vimm.s32 $0xE0E0D0D  }
0x26: {  	v6 =	vsel vm1, v11, v6;
	v9 =	vunpack.c.0.s8.s32 v9;
	v11 =	vimm.s32 $0x5554504F  }
0x27: {  	v12 =	vunpack.c.0.s8.s32 v12;
	v8 =	vnsel vm2, $0xF, v8;
	v11 =	vunpack.c.0.s8.s32 v11  }
0x28: {  	v6 =	vcombine.low v6, v7;
	v22 =	vsel vm11, v9, v8;
	v8 =	vsel vm1, v15, v14  }
0x29: {  	v9 =	vsel vm1, v17, v16;
	v14 =	vimm.s32 $0x11101010;
	v15 =	vimm.s32 $0x12121111  }
0x2a: {  	v7 =	vsel vm1, v12, v11;
	v11 =	vimm.s32 $0x47464541;
	v12 =	vimm.s32 $0x514D4C4B  }
0x2b: {  	v16 =	vimm.s32 $0x13131312;
	v11 =	vunpack.c.0.s8.s32 v11;
	v12 =	vunpack.c.0.s8.s32 v12  }
0x2c: {  	v17 =	vimm.s32 $0x817D7C7B;
	v14 =	vunpack.c.0.s8.s32 v14;
	v15 =	vunpack.c.0.s8.s32 v15  }
0x2d: {  	v17 =	vunpack.c.0.s8.s32 v17;
	v7 =	vcombine.low v8, v7;
	v11 =	vsel vm1, v12, v11  }
0x2e: {  	v12 =	vnsel vm12, $0x15, v14;
	v14 =	vunpack.c.0.s8.s32 v16;
	v16 =	vimm.s32 $0x69656463  }
0x2f: {  	v8 =	vcombine.low v11, v9;
	v9 =	vsel vm1, v15, v12;
	v12 =	vimm.s32 $0x7E7A7978  }
0x30: {  	v15 =	vimm.s32 $0x6D6C6867;
	v11 =	vsel vm11, v14, v9;
	v9 =	vimm.s32 $0x7473726E  }
0x31: {  	v12 =	vunpack.c.0.s8.s32 v12;
	v14 =	vimm.s32 $0x66626160;
	v9 =	vunpack.c.0.s8.s32 v9  }
0x32: {  	v16 =	vunpack.c.0.s8.s32 v16;
	v15 =	vunpack.c.0.s8.s32 v15;
	v14 =	vunpack.c.0.s8.s32 v14  }
0x33: {  	v12 =	vsel vm1, v12, v9;
	v9 =	vand.u32 $0xFF, v17;
	v17 =	vunpack.c.0.s8.s32 v20  }
0x34: {  	v29 =	vunpack.c.0.s8.s32 v29;
	v14 =	vsel vm1, v15, v14;
	v15 =	vsel vm1, v18, v16  }
0x35: {  	v16 =	vsel vm1, v9, v19;
	v9 =	vnsel vm12, $0x1A, v17;
	v17 =	vimm.s32 $0x17171716  }
0x36: {  	v18 =	vimm.s32 $0x96929190;
	v19 =	vimm.s32 $0x9D9C9897;
	v17 =	vunpack.c.0.s8.s32 v17  }
0x37: {  	v20 =	vimm.s32 $0x8584807F;
	v18 =	vunpack.c.0.s8.s32 v18;
	v19 =	vunpack.c.0.s8.s32 v19  }
0x38: {  	v17 =	vsel vm1, v17, v9;
	v9 =	vunpack.c.0.s8.s32 v20;
	v20 =	vunpack.c.0.s8.s32 v21  }
0x39: {  	v0 =	vimm.f32 $+Inf;
	v10 =	vsel vm13, $0x4, v10;
	v18 =	vsel vm1, v19, v18  }
0x3a: {  	v19 =	vimm.s32 $0x99959493;
	v21 =	vimm.s32 $0xA09F9B9A;
	v20 =	vsel vm1, v20, v9  }
0x3b: {  	v9 =	vunpack.c.0.s8.s32 v19;
	v19 =	vunpack.c.0.s8.s32 v21;
	v21 =	vimm.s32 $0x88878382  }
0x3c: {  	v13 =	vsel vm14, $0x9, v13;
	v22 =	vsel vm15, $0xE, v22;
	v21 =	vunpack.c.0.s8.s32 v21  }
0x3d: {  	v11 =	vsel vm13, $0x14, v11;
	v19 =	vsel vm1, v19, v9;
	v9 =	vnsel vm12, $0x1F, v24  }
0x3e: {  	v12 =	vcombine.low v14, v12;
	v21 =	vsel vm1, v23, v21;
	v28 =	vsel vm1, v25, v9  }
0x3f: {  	s2 =	stileid.u32;
	s5 =	rddreg [dreg:$0x0];
	v23 =	vsel vm1, v27, v26;
	v25 =	vimm.s32 $0xB8B7B3B2;
	v26 =	vimm.s32 $0xBFBEBDB9  }
0x40: {  	s0 =	srdreg.scid;
	s9 =	rddreg [dreg:$0x1];
	v27 =	vimm.s32 $0xA7A6A5A1;
	v25 =	vunpack.c.0.s8.s32 v25;
	v26 =	vunpack.c.0.s8.s32 v26  }
0x41: {  	s10 =	rddreg [dreg:$0x2];
	s12 =	simm.s32 $0x1;
	s13 =	simm.s32 $0x6000;
	v24 =	vimm.s32 $0xAEAAA9A8;
	v9 =	vimm.s32 $0xA4A3A29E;
	v27 =	vunpack.c.0.s8.s32 v27  }
0x42: {  	s14 =	simm.s32 $0xC000;
	s15 =	simm.s32 $0xC180;
	s16 =	simm.s32 $0xC200;
	v24 =	vunpack.c.0.s8.s32 v24;
	v9 =	vunpack.c.0.s8.s32 v9;
	v25 =	vsel vm1, v26, v25  }
0x43: {  	s17 =	simm.s32 $0x19380;
	s18 =	simm.s32 $0xE280;
	s1 =	sshll.u32 s2, $0x1;
	v26 =	vsel vm1, v29, v27;
	v27 =	vimm.s32 $0x19181818;
	v29 =	vimm.s32 $0x24924924  }
0x44: {  	s19 =	simm.s32 $0x10300;
	s0 =	sand.u32 $0x1, s0;
	s1 =	sand.u32 $0x2, s1;
	v14 =	vimm.s32 $0x49249249;
	v27 =	vunpack.c.0.s8.s32 v27;
	v29 =	vunpack.c.l.s2.s4 v29  }
0x45: {  	s20 =	simm.s32 $0x19400;
	s2 =	sshrl.u32 s2, $0x1;
	s1 =	sor.u32 s0, s1;
	v32 =	vcombine.low v21, v19;
	v24 =	vsel vm1, v24, v9;
	v9 =	vlaneseq.u32  }
0x46: {  	s3 =	sshll.u32 s2, $0x9;
	s2 =	smul.u32 $0xC00, s2;
	s1 =	sshll.u32 s1, $0x7;
	v30 =	vmul.u32 $0xFFFFFFFF, v9;
	v17 =	vsel vm11, v27, v17;
	v27 =	vunpack.c.l.s4.s8 v29  }
0x47: {  	s21 =	simm.s32 $0x13380;
	s23 =	simm.s32 $0x0;
	s1 =	sor.u32 s3, s1;
	v29 =	vunpack.c.l.s2.s4 v14;
	v14 =	vcombine.low v15, v16;
	v15 =	vsel vm14, $0x19, v17  }
0x48: {  	s0 =	ssub.s32 $0x2, s0;
	s2 =	sadd.s32 s2, s5;
	s4 =	smul.u32 $0x3, s1;
	v17 =	vadd.s32 $0xF, v30;
	v30 =	vunpack.c.l.s2.s4 v31;
	v27 =	vunpack.c.0.s8.s32 v27  }
0x49: {  	s8 =	sshrl.u32 s0, $0x1;
	s3 =	simm.s32 $0x0;
	s11 =	smul.u32 $0xC, s1;
	v19 =	vimm.f32 $0.0e+00;
	v16 =	vimm.s32 $0x2000;
	v29 =	vunpack.c.l.s4.s8 v29  }
0x4a: {  	s30 =	sadd.s32 $0x912200, s2;
	s0 =	ssub.s32 s0, s8;
	s31 =	smul.u32 $0x18, s1;
	v31 =	vcombine.low v20, v18;
	v30 =	vunpack.c.l.s4.s8 v30;
	v20 =	vand.u32 $0x3, v27  }
.Ltmp0:
0x4b: {  	[smem:$0x7FF] =	sst s3;
	s6 =	sshrl.u32 s1, $0x3;
	v21 =	vunpack.c.0.s8.s32 v29;
	v29 =	vcombine.low v24, v23;
	v23 =	vimm.s32 $0x1E1E1D1D;
	(pc) =	sbr.rel .LBB2_1-.Ltmp0, $4  }
0x4c: {  	_ =	strace $0x8000004A;
	[dreg:$0x4] =	wrdreg s30;
	s4 =	sshrl.u32 s4, $0x3;
	v27 =	vunpack.c.0.s8.s32 v30;
	v30 =	vcombine.low v26, v25;
	v26 =	vunpack.c.0.s8.s32 v23  }
0x4d: {  	s9 =	sadd.s32 s9, s11;
	s10 =	sadd.s32 s10, s31;
	s7 =	sadd.s32 s4, s5;
	v18 =	vadd.s32 $0xF, v9;
	v24 =	vand.u32 $0xFF, v31;
	v25 =	vand.u32 $0xFF, v32  }
0x4e: {  	s4 =	sadd.s32 $0x411C00, s5;
	s5 =	sadd.s32 s6, s5;
	s6 =	sadd.s32 $0xA12200, s2;
	v21 =	vand.u32 $0x3, v21;
	v23 =	vand.u32 $0x3, v27;
	v26 =	vsel vm11, v26, v28  }
0x4f: {  	s11 =	smax.u32 s0, $0x1;
	s7 =	sadd.s32 $0x811C00, s7;
	s8 =	sadd.s32 $0x918200, s5;
	v27 =	vand.u32 $0xFF, v29;
	v28 =	vand.u32 $0xFF, v30;
	v26 =	vsel vm15, $0x1E, v26  }
.LBB2_48:
0x50: {  	s0 =	simm.s32 $0x10380  }
0x51: {  	[hbm4b:s9+s3] =	stream.linear.scatter [tilespmem:s0], [sflag:$0x1], $0x3000, $0x38;
	[tilespmem:$0x1B480] =	vst v63  }
0x52: {  	s23 =	sadd.s32 $0x1, s23;
	_ =	swait.ge [sflag:s12], $0x3000  }
0x53: {  	p0 =	sne.s32 s23, s11;
	[sflag:s12] =	ssyncset.done $0x0  }
.Ltmp1:
0x54: {  	[sflag:s12] =	ssyncadd.s32 $0xFFFFD000;
	(pc) =	sbr.rel @!p0 .LBB2_49-.Ltmp1, $4  }
0x55: {  	[hbm4b:s10+s3] =	stream.linear.scatter [tilespmem:s21], [sflag:$0x1], $0x6000, $0x38;
	[tilespmem:$0x1B480] =	vst v63  }
0x56: {  	_ =	swait.ge [sflag:s12], $0x6000  }
0x57: {  	[sflag:s12] =	ssyncset.done $0x0  }
0x58: {  	[sflag:s12] =	ssyncadd.s32 $0xFFFFA000  }
.LBB2_1:
0x59: {  	s0 =	rddreg [dreg:$0x4]  }
0x5a: {  	[tilespmem:s3], [sflag:$0x1] =	stream.linear.gather [hbm4b:s0+s3], $0x6000, $0x38;
	[tilespmem:$0x1B480] =	vst v63  }
0x5b: {  	_ =	swait.ge [sflag:s12], $0x6000  }
0x5c: {  	[sflag:s12] =	ssyncset.done $0x0  }
0x5d: {  	[sflag:s12] =	ssyncadd.s32 $0xFFFFA000  }
0x5e: {  	[tilespmem:s13], [sflag:$0x1] =	stream.linear.gather [hbm4b:s6+s3], $0x6000, $0x38;
	[tilespmem:$0x1B480] =	vst v63  }
0x5f: {  	_ =	swait.ge [sflag:s12], $0x6000  }
0x60: {  	[sflag:s12] =	ssyncset.done $0x0  }
0x61: {  	[sflag:s12] =	ssyncadd.s32 $0xFFFFA000  }
0x62: {  	[tilespmem:s14], [sflag:$0x1] =	stream.linear.gather [hbm4b:s7+s3], $0x180, $0x38;
	[tilespmem:$0x1B480] =	vst v63  }
0x63: {  	_ =	swait.ge [sflag:s12], $0x180  }
0x64: {  	[sflag:s12] =	ssyncset.done $0x0  }
0x65: {  	[sflag:s12] =	ssyncadd.s32 $0xFFFFFE80  }
0x66: {  	[tilespmem:s15], [sflag:$0x1] =	stream.linear.gather [hbm4b:s8+s3], $0x80, $0x38;
	[tilespmem:$0x1B480] =	vst v63  }
.Ltmp2:
0x67: {  	_ = 	snop;
	(pc) =	sbr.rel .LBB2_2-.Ltmp2, $4  }
0x68: {  	_ =	swait.ge [sflag:s12], $0x80  }
0x69: {  	[sflag:s12] =	ssyncset.done $0x0  }
0x6a: {  	[sflag:s12] =	ssyncadd.s32 $0xFFFFFF80  }
0x6b: {  	s24 =	simm.s32 $0x0;
	[tilespmem:$0xE200] =	vst v0  }
.LBB2_47:
0x6c: {  	_ =	sdelay $0x3  }
0x6d: {  	v29 =	vld.idx.msk [tilespmem:v10+s19+$0x0], $0xffff;
	_ =	sdelay $0x3  }
0x6e: {  	s5 =	smul.u32 $0x3, s24  }
0x6f: {  	v29 =	vmul.u32 $0x3, v29  }
0x70: {  	v30 =	vadd.s32 s5, v20  }
0x71: {  	v29 =	vadd.s32 v20, v29;
	_ =	sdelay $0x3  }
0x72: {  	v32 =	vld.idx.msk [tilespmem:v30+s14+$0x0], $0xffff  }
0x73: {  	v31 =	vld.idx.msk [tilespmem:v29+s3+$0x0], $0xffff  }
0x74: {  	s2 =	smul.u32 $0xC0, s24;
	_ =	sdelay $0x1  }
0x75: {  	v33 =	vor.u32 s2, v3  }
0x76: {  	s0 =	smul.u32 $0x180, s24  }
0x77: {  	v31 =	vsub.f32 v31, v32  }
0x78: {  	s0 =	sshra.s32 s0, $0x2  }
0x79: {  	[tilespmem:s0+$0x10380] =	vst v31  }
0x7a: {  	[tilespmem:v33+s21+$0x0] =	vst.idx.msk $0xffff, v31  }
0x7b: {  	v31 =	vor.u32 s2, v4;
	v29 =	vld.idx.msk [tilespmem:v29+s13+$0x0], $0xffff;
	_ =	sdelay $0x4  }
0x7c: {  	[tilespmem:v31+s21+$0x0] =	vst.idx.msk $0xffff, v29  }
0x7d: {  	v29 =	vld.idx.msk [tilespmem:v13+s19+$0x0], $0xffff;
	_ =	sdelay $0x4  }
0x7e: {  	v29 =	vmul.u32 $0x3, v29  }
0x7f: {  	v31 =	vadd.s32 s5, v21  }
0x80: {  	v29 =	vadd.s32 v21, v29;
	_ =	sdelay $0x3  }
0x81: {  	v33 =	vld.idx.msk [tilespmem:v31+s14+$0x0], $0xffff  }
0x82: {  	v56 =	vld.idx.msk [tilespmem:v29+s3+$0x0], $0xffff;
	_ =	sdelay $0x2  }
0x83: {  	v34 =	vor.u32 s2, v5;
	_ =	sdelay $0x1  }
0x84: {  	v32 =	vsub.f32 v56, v33;
	_ =	sdelay $0x1  }
0x85: {  	[tilespmem:s0+$0x10390] =	vst v32  }
0x86: {  	[tilespmem:v34+s21+$0x0] =	vst.idx.msk $0xffff, v32  }
0x87: {  	v57 =	vadd.s32 s2, v6;
	v29 =	vld.idx.msk [tilespmem:v29+s13+$0x0], $0xffff;
	_ =	sdelay $0x4  }
0x88: {  	[tilespmem:v57+s21+$0x0] =	vst.idx.msk $0xffff, v29  }
0x89: {  	v29 =	vld.idx.msk [tilespmem:v22+s19+$0x0], $0xffff;
	_ =	sdelay $0x4  }
0x8a: {  	v29 =	vmul.u32 $0x3, v29  }
0x8b: {  	v58 =	vadd.s32 s5, v23  }
0x8c: {  	v29 =	vadd.s32 v23, v29;
	_ =	sdelay $0x3  }
0x8d: {  	v34 =	vld.idx.msk [tilespmem:v58+s14+$0x0], $0xffff  }
0x8e: {  	v59 =	vld.idx.msk [tilespmem:v29+s3+$0x0], $0xffff;
	_ =	sdelay $0x2  }
0x8f: {  	v35 =	vadd.s32 s2, v7;
	_ =	sdelay $0x1  }
0x90: {  	v33 =	vsub.f32 v59, v34;
	_ =	sdelay $0x1  }
0x91: {  	[tilespmem:s0+$0x103A0] =	vst v33  }
0x92: {  	[tilespmem:v35+s21+$0x0] =	vst.idx.msk $0xffff, v33  }
0x93: {  	v60 =	vadd.s32 s2, v8;
	v29 =	vld.idx.msk [tilespmem:v29+s13+$0x0], $0xffff;
	_ =	sdelay $0x4  }
0x94: {  	[tilespmem:v60+s21+$0x0] =	vst.idx.msk $0xffff, v29  }
0x95: {  	v29 =	vld.idx.msk [tilespmem:v11+s19+$0x0], $0xffff;
	_ =	sdelay $0x4  }
0x96: {  	v29 =	vmul.u32 $0x3, v29;
	_ =	sdelay $0x1  }
0x97: {  	v29 =	vadd.s32 v20, v29;
	_ =	sdelay $0x3  }
0x98: {  	v30 =	vld.idx.msk [tilespmem:v30+s14+$0x0], $0xffff  }
0x99: {  	v33 =	vld.idx.msk [tilespmem:v29+s3+$0x0], $0xffff;
	_ =	sdelay $0x2  }
0x9a: {  	v61 =	vadd.s32 s2, v12;
	_ =	sdelay $0x1  }
0x9b: {  	v30 =	vsub.f32 v33, v30;
	_ =	sdelay $0x1  }
0x9c: {  	[tilespmem:s0+$0x103B0] =	vst v30  }
0x9d: {  	[tilespmem:v61+s21+$0x0] =	vst.idx.msk $0xffff, v30  }
0x9e: {  	v30 =	vadd.s32 s2, v14;
	v29 =	vld.idx.msk [tilespmem:v29+s13+$0x0], $0xffff;
	_ =	sdelay $0x4  }
0x9f: {  	[tilespmem:v30+s21+$0x0] =	vst.idx.msk $0xffff, v29  }
0xa0: {  	v29 =	vld.idx.msk [tilespmem:v15+s19+$0x0], $0xffff;
	_ =	sdelay $0x4  }
0xa1: {  	v29 =	vmul.u32 $0x3, v29;
	_ =	sdelay $0x1  }
0xa2: {  	v29 =	vadd.s32 v21, v29;
	_ =	sdelay $0x3  }
0xa3: {  	v31 =	vld.idx.msk [tilespmem:v31+s14+$0x0], $0xffff  }
0xa4: {  	v30 =	vld.idx.msk [tilespmem:v29+s3+$0x0], $0xffff;
	_ =	sdelay $0x2  }
0xa5: {  	v62 =	vadd.s32 s2, v24;
	_ =	sdelay $0x1  }
0xa6: {  	v30 =	vsub.f32 v30, v31;
	_ =	sdelay $0x1  }
0xa7: {  	[tilespmem:s0+$0x103C0] =	vst v30  }
0xa8: {  	[tilespmem:v62+s21+$0x0] =	vst.idx.msk $0xffff, v30  }
0xa9: {  	v30 =	vadd.s32 s2, v25;
	v29 =	vld.idx.msk [tilespmem:v29+s13+$0x0], $0xffff;
	_ =	sdelay $0x4  }
0xaa: {  	[tilespmem:v30+s21+$0x0] =	vst.idx.msk $0xffff, v29  }
0xab: {  	v29 =	vld.idx.msk [tilespmem:v26+s19+$0x0], $0xffff;
	_ =	sdelay $0x4  }
0xac: {  	v29 =	vmul.u32 $0x3, v29;
	_ =	sdelay $0x1  }
0xad: {  	v29 =	vadd.s32 v23, v29;
	_ =	sdelay $0x3  }
0xae: {  	v31 =	vld.idx.msk [tilespmem:v58+s14+$0x0], $0xffff  }
0xaf: {  	v30 =	vld.idx.msk [tilespmem:v29+s3+$0x0], $0xffff;
	_ =	sdelay $0x2  }
0xb0: {  	v63 =	vadd.s32 s2, v27;
	_ =	sdelay $0x1  }
0xb1: {  	v30 =	vsub.f32 v30, v31;
	_ =	sdelay $0x1  }
0xb2: {  	[tilespmem:s0+$0x103D0] =	vst v30  }
0xb3: {  	s24 =	sadd.s32 $0x1, s24;
	[tilespmem:v63+s21+$0x0] =	vst.idx.msk $0xffff, v30  }
0xb4: {  	p0 =	sne.s32 s24, $0x80;
	v30 =	vadd.s32 s2, v28;
	v29 =	vld.idx.msk [tilespmem:v29+s13+$0x0], $0xffff  }
.Ltmp3:
0xb5: {  	_ = 	snop;
	(pc) =	sbr.rel @!p0 .LBB2_48-.Ltmp3, $2  }
0xb6: {  	_ =	sdelay $0x2  }
0xb7: {  	[tilespmem:v30+s21+$0x0] =	vst.idx.msk $0xffff, v29  }
.LBB2_2:
0xb8: {  	s0 =	sadd.s32 s1, s24  }
0xb9: {  	s0 =	sshll.u32 s0, $0xA  }
0xba: {  	s0 =	sand.u32 $0x1FFFFC00, s0  }
0xbb: {  	s5 =	simm.s32 $0xC200;
	v29 =	vmov s24;
	s2 =	sadd.s32 s4, s0;
	s0 =	simm.s32 $0x0  }
0xbc: {  	[tilespmem:s5], [sflag:$0x1] =	stream.linear.gather [hbm4b:s2+s0], $0x2000, $0x38;
	[tilespmem:$0x1B480] =	vst v63  }
0xbd: {  	_ =	swait.ge [sflag:s12], $0x2000  }
0xbe: {  	[sflag:s12] =	ssyncset.done $0x0  }
0xbf: {  	[sflag:s12] =	ssyncadd.s32 $0xFFFFE000  }
0xc0: {  	v29 =	vld.idx.msk [tilespmem:v29+s15+$0x0], $0xffff  }
0xc1: {  	v30 =	vld [tilespmem:s5+$0x0];
	_ =	sdelay $0x4  }
0xc2: {  	vm0 =	vle.f32 v30, v29  }
0xc3: {  	v30 =	vmpcnt.ones.xlane vm0;
	_ =	sdelay $0x1  }
0xc4: {  	(v2sf) =	vpush v30, $0x0;
	_ =	sdelay $0x5  }
0xc5: {  	v31 =	vor.u32 s0, v9  }
0xc6: {  	s5 =	simm.s32 $0xC210;
	[tilespmem:s0+$0xE280] =	vst.msk vm0, v31  }
0xc7: {  	s22 =	simm.s32 $0x20;
	s2 =	simm.s32 $0x10;
	v30 =	vld [tilespmem:s5+$0x0]  }
.LBB2_3:
0xc8: {  	p0 =	sne.s32 s22, $0x1FF0;
	_ =	sdelay $0x3  }
0xc9: {  	vm0 =	vle.f32 v30, v29  }
0xca: {  	v30 =	vmpcnt.ones.xlane vm0  }
0xcb: {  	s25 =	spop (v2sf)  }
0xcc: {  	v31 =	vor.u32 s2, v9;
	s2 =	smov.u32 s22;
	(v2sf) =	vpush v30, $0x0;
	s0 =	sadd.s32 s0, s25  }
0xcd: {  	[tilespmem:s0+$0xE280] =	vst.msk vm0, v31;
	_ =	sdelay $0x2  }
.Ltmp4:
0xce: {  	(pc) =	sbr.rel @p0 .LBB2_3-.Ltmp4, $3  }
0xcf: {  	_ =	sdelay $0x1  }
0xd0: {  	s5 =	sadd.s32 $0x10, s5  }
0xd1: {  	s22 =	sadd.s32 $0x10, s22;
	v30 =	vld [tilespmem:s5+$0x0]  }
0xd2: {  	_ =	sdelay $0x3  }
0xd3: {  	vm0 =	vle.f32 v30, v29  }
0xd4: {  	v29 =	vmpcnt.ones.xlane vm0;
	_ =	sdelay $0x1  }
0xd5: {  	(v2sf) =	vpush v29, $0x0;
	_ =	sdelay $0xd  }
0xd6: {  	s5 =	spop (v2sf)  }
0xd7: {  	v29 =	vor.u32 s2, v9;
	s0 =	sadd.s32 s0, s5;
	s31 =	spop (v2sf)  }
0xd8: {  	[tilespmem:s0+$0xE280] =	vst.msk vm0, v29;
	s25 =	sadd.s32 s0, s31  }
0xd9: {  	[tilespmem:s25+$0xE280] =	vst v16  }
0xda: {  	[tilespmem:s25+$0xE290] =	vst v16  }
0xdb: {  	v29 =	vld [tilespmem:$0xE280]  }
0xdc: {  	v30 =	vld [tilespmem:$0xE290];
	_ =	sdelay $0x6  }
0xdd: {  	v31 =	vld.idx.msk [tilespmem:v29+s16+$0x0], $0xffff  }
0xde: {  	v32 =	vld.idx.msk [tilespmem:v30+s16+$0x0], $0xffff;
	_ =	sdelay $0x3  }
0xdf: {  	(xrf1) =	vsort.ascd.msk.f32 $0xffff, v31, v29  }
0xe0: {  	(xrf1) =	vsort.ascd.msk.f32 $0xffff, v32, v30;
	_ =	sdelay $0xc  }
0xe1: {  	v29, v30, _ =	vpop (xrf1)  }
0xe2: {  	v31, v32, _ =	vpop (xrf1)  }
0xe3: {  	v31 =	vperm.xlane v31, v17  }
0xe4: {  	v32 =	vperm.xlane v32, v17  }
0xe5: {  	vm15 =	vle.f32 v29, v31  }
0xe6: {  	v33 =	vmin.f32 v29, v31;
	v34 =	vsel vm15, v30, v32  }
0xe7: {  	v29 =	vmax.f32 v29, v31;
	v30 =	vsel vm15, v32, v30;
	(xrf1) =	vsort.ascd.msk.f32 $0xffff, v33, v34  }
0xe8: {  	(xrf1) =	vsort.ascd.msk.f32 $0xffff, v29, v30;
	_ =	sdelay $0x7  }
0xe9: {  	s0 =	sadd.s32 $0x1F, s25  }
0xea: {  	p0 =	slt.u32 s0, $0x40  }
.Ltmp5:
0xeb: {  	_ = 	snop;
	(pc) =	sbr.rel @p0 .LBB2_12-.Ltmp5, $3  }
0xec: {  	_ =	sdelay $0x1  }
0xed: {  	v30, v31, _ =	vpop (xrf1)  }
0xee: {  	v29, v32, _ =	vpop (xrf1)  }
0xef: {  	s0 =	sshrl.u32 s0, $0x5  }
0xf0: {  	s0 =	sadd.s32 $0xFFFFFFFF, s0  }
0xf1: {  	p2 =	sne.s32 s0, $0x1  }
.Ltmp6:
0xf2: {  	_ = 	snop;
	(pc) =	sbr.rel @!p2 .LBB2_6-.Ltmp6, $4  }
0xf3: {  	_ = 	snop  }
0xf4: {  	s2 =	simm.s32 $0xE2B0  }
0xf5: {  	v34 =	vld [tilespmem:s2+$0x0]  }
0xf6: {  	p0 =	por $0x0, $0x0;
	p1 =	por $0x0, $0x0;
	v33 =	vld [tilespmem:s2+$0xFFFFFFF0];
	s0 =	sadd.s32 $0xFFFFFFFF, s0  }
0xf7: {  	_ =	sdelay $0x6  }
0xf8: {  	v35 =	vld.idx.msk [tilespmem:v34+s16+$0x0], $0xffff;
	_ =	sdelay $0x1  }
0xf9: {  	v36 =	vld.idx.msk [tilespmem:v33+s16+$0x0], $0xffff;
	_ =	sdelay $0x2  }
0xfa: {  	(xrf1) =	vsort.ascd.msk.f32 $0xffff, v35, v34;
	_ =	sdelay $0x1  }
0xfb: {  	(xrf1) =	vsort.ascd.msk.f32 $0xffff, v36, v33;
	_ =	sdelay $0xb  }
0xfc: {  	v61, v34, _ =	vpop (xrf1)  }
0xfd: {  	p2 =	sne.s32 s0, $0x1;
	v33 =	vperm.xlane v61, v17  }
.Ltmp7:
0xfe: {  	v62, v36, _ =	vpop (xrf1);
	v34 =	vperm.xlane v34, v17;
	(pc) =	sbr.rel @!p2 .LBB2_8-.Ltmp7, $4  }
0xff: {  	vm0 =	vle.f32 v62, v33  }
0x100: {  	s2 =	simm.s32 $0xE2D0;
	v37 =	vmax.f32 v62, v33;
	v38 =	vsel vm0, v34, v36  }
0x101: {  	v33 =	vmin.f32 v62, v33;
	v63 =	vsel vm0, v36, v34;
	v34 =	vld [tilespmem:s2+$0x0];
	(xrf1) =	vsort.ascd.msk.f32 $0xffff, v37, v38  }
0x102: {  	s0 =	sadd.s32 $0xFFFFFFFF, s0;
	p0 =	por $0x1, $0x1;
	(xrf1) =	vsort.ascd.msk.f32 $0xffff, v33, v63;
	v33 =	vld [tilespmem:s2+$0xFFFFFFF0]  }
0x103: {  	_ =	sdelay $0x9  }
0x104: {  	v35 =	vld.idx.msk [tilespmem:v34+s16+$0x0], $0xffff  }
0x105: {  	v36 =	vld.idx.msk [tilespmem:v33+s16+$0x0], $0xffff  }
0x106: {  	v37, v38, _ =	vpop (xrf1)  }
0x107: {  	v39, v40, _ =	vpop (xrf1)  }
0x108: {  	v39 =	vperm.xlane v39, v17  }
0x109: {  	(xrf1) =	vsort.ascd.msk.f32 $0xffff, v35, v34;
	v48 =	vperm.xlane v40, v17  }
0x10a: {  	(xrf1) =	vsort.ascd.msk.f32 $0xffff, v36, v33;
	v49 =	vperm.xlane v37, v17;
	vm0 =	vle.f32 v29, v39  }
0x10b: {  	v50 =	vperm.xlane v38, v17;
	v51 =	vmin.f32 v29, v39;
	v34 =	vsel vm0, v32, v48  }
0x10c: {  	vm13 =	vle.f32 v30, v49;
	(xrf1) =	vsort.ascd.msk.f32 $0xffff, v51, v34  }
0x10d: {  	v33 =	vmin.f32 v30, v49;
	v52 =	vsel vm13, v31, v50  }
0x10e: {  	(xrf1) =	vsort.ascd.msk.f32 $0xffff, v33, v52;
	_ =	sdelay $0x8  }
0x10f: {  	v33, v34, _ =	vpop (xrf1)  }
0x110: {  	v33 =	vperm.xlane v33, v17  }
0x111: {  	v54, v53, _ =	vpop (xrf1);
	v34 =	vperm.xlane v34, v17  }
0x112: {  	vm14 =	vle.f32 v54, v33;
	v57 =	vmax.f32 v54, v33;
	v55, v56, _ =	vpop (xrf1)  }
0x113: {  	p2 =	sne.s32 s0, $0x1;
	v33 =	vmin.f32 v54, v33;
	v58 =	vsel vm14, v34, v53;
	v37 =	vperm.xlane v55, v17  }
.Ltmp8:
0x114: {  	v34 =	vsel vm14, v53, v34;
	(xrf1) =	vsort.ascd.msk.f32 $0xffff, v57, v58;
	v38 =	vperm.xlane v56, v17;
	v59, v41, _ =	vpop (xrf1);
	(pc) =	sbr.rel @!p2 .LBB2_11-.Ltmp8, $4  }
0x115: {  	(xrf1) =	vsort.ascd.msk.f32 $0xffff, v33, v34;
	vm15 =	vle.f32 v59, v37  }
0x116: {  	s26 =	simm.s32 $0xE2F0;
	v60 =	vmax.f32 v59, v37;
	v61 =	vsel vm15, v38, v41  }
0x117: {  	v34 =	vld [tilespmem:s26+$0x0];
	v62 =	vmin.f32 v59, v37;
	v63 =	vsel vm15, v41, v38;
	(xrf1) =	vsort.ascd.msk.f32 $0xffff, v60, v61  }
0x118: {  	s28 =	sadd.s32 $0xFFFFFFFF, s0;
	p1 =	por $0x1, $0x1;
	v33 =	vld [tilespmem:s26+$0xFFFFFFF0];
	(xrf1) =	vsort.ascd.msk.f32 $0xffff, v62, v63  }
.LBB2_10:
0x119: {  	p2 =	sne.s32 s28, $0x1;
	_ =	sdelay $0x5  }
0x11a: {  	v35 =	vld.idx.msk [tilespmem:v34+s16+$0x0], $0xffff  }
0x11b: {  	v36 =	vld.idx.msk [tilespmem:v33+s16+$0x0], $0xffff;
	_ =	sdelay $0x1  }
0x11c: {  	v37, v38, _ =	vpop (xrf1)  }
0x11d: {  	v39, v40, _ =	vpop (xrf1)  }
0x11e: {  	v39 =	vperm.xlane v39, v17  }
0x11f: {  	(xrf1) =	vsort.ascd.msk.f32 $0xffff, v35, v34;
	v34 =	vperm.xlane v40, v17;
	v40, v35, _ =	vpop (xrf1)  }
0x120: {  	(xrf1) =	vsort.ascd.msk.f32 $0xffff, v36, v33;
	v33 =	vperm.xlane v37, v17;
	vm0 =	vle.f32 v40, v39;
	v37, v36, _ =	vpop (xrf1)  }
0x121: {  	v38 =	vperm.xlane v38, v17;
	v39 =	vmin.f32 v40, v39;
	v34 =	vsel vm0, v35, v34  }
0x122: {  	vm0 =	vle.f32 v37, v33;
	(xrf1) =	vsort.ascd.msk.f32 $0xffff, v39, v34  }
0x123: {  	v33 =	vmin.f32 v37, v33;
	v34 =	vsel vm0, v36, v38  }
0x124: {  	(xrf1) =	vsort.ascd.msk.f32 $0xffff, v33, v34;
	_ =	sdelay $0x8  }
0x125: {  	v33, v34, _ =	vpop (xrf1)  }
0x126: {  	v33 =	vperm.xlane v33, v17;
	v35, v36, _ =	vpop (xrf1)  }
0x127: {  	v34 =	vperm.xlane v34, v17  }
0x128: {  	vm0 =	vle.f32 v35, v33;
	v40 =	vmax.f32 v35, v33;
	v38, v39, _ =	vpop (xrf1)  }
0x129: {  	v33 =	vmin.f32 v35, v33;
	v35 =	vsel vm0, v34, v36;
	v38 =	vperm.xlane v38, v17  }
.Ltmp9:
0x12a: {  	v34 =	vsel vm0, v36, v34;
	(xrf1) =	vsort.ascd.msk.f32 $0xffff, v40, v35;
	v35 =	vperm.xlane v39, v17;
	v36, v37, _ =	vpop (xrf1);
	(pc) =	sbr.rel @p2 .LBB2_10-.Ltmp9, $4  }
0x12b: {  	(xrf1) =	vsort.ascd.msk.f32 $0xffff, v33, v34;
	vm0 =	vle.f32 v36, v38;
	v39 =	vmin.f32 v36, v38  }
0x12c: {  	s26 =	sadd.s32 $0x20, s26;
	v33 =	vmax.f32 v36, v38;
	v40 =	vsel vm0, v37, v35;
	v35 =	vsel vm0, v35, v37  }
0x12d: {  	v34 =	vld [tilespmem:s26+$0x0];
	(xrf1) =	vsort.ascd.msk.f32 $0xffff, v33, v35  }
0x12e: {  	s28 =	sadd.s32 $0xFFFFFFFF, s28;
	v33 =	vld [tilespmem:s26+$0xFFFFFFF0];
	(xrf1) =	vsort.ascd.msk.f32 $0xffff, v39, v40  }
.LBB2_11:
0x12f: {  	_ =	sdelay $0x6  }
0x130: {  	v35 =	vld.idx.msk [tilespmem:v34+s16+$0x0], $0xffff  }
0x131: {  	v36 =	vld.idx.msk [tilespmem:v33+s16+$0x0], $0xffff;
	_ =	sdelay $0x1  }
0x132: {  	v37, v38, _ =	vpop @p0 (xrf1)  }
0x133: {  	v39, v40, _ =	vpop @p0 (xrf1)  }
0x134: {  	(xrf1) =	vsort.ascd.msk.f32 $0xffff, v35, v34;
	v39 =	vperm.xlane @p0 v39, v17;
	v34 =	vperm.xlane @p0 v40, v17;
	v35, v40, _ =	vpop @p1 (xrf1)  }
0x135: {  	(xrf1) =	vsort.ascd.msk.f32 $0xffff, v36, v33;
	v33 =	vperm.xlane @p0 v37, v17;
	v35 =	vpsel p1, v35, v29  }
0x136: {  	v38 =	vperm.xlane @p0 v38, v17;
	v36, v37, _ =	vpop @p1 (xrf1);
	v40 =	vpsel p1, v40, v32;
	vm0 =	vle.f32 @p0 v35, v39  }
0x137: {  	v35 =	vmin.f32 @p0 v35, v39;
	v36 =	vpsel p1, v36, v30;
	v34 =	vsel @p0 vm0, v40, v34  }
0x138: {  	vm0 =	vle.f32 @p0 v36, v33;
	(xrf1) =	vsort.ascd.msk.f32 @p0 $0xffff, v35, v34;
	v34 =	vpsel p1, v37, v31  }
0x139: {  	v33 =	vmin.f32 @p0 v36, v33;
	v34 =	vsel @p0 vm0, v34, v38  }
0x13a: {  	(xrf1) =	vsort.ascd.msk.f32 @p0 $0xffff, v33, v34;
	_ =	sdelay $0x9  }
0x13b: {  	v33, v34, _ =	vpop (xrf1)  }
0x13c: {  	v33 =	vperm.xlane v33, v17;
	v54, v55, _ =	vpop (xrf1)  }
0x13d: {  	v34 =	vperm.xlane v34, v17;
	v37, v38, _ =	vpop @p0 (xrf1)  }
0x13e: {  	vm12 =	vle.f32 v54, v33;
	v56 =	vmax.f32 v54, v33;
	v37 =	vperm.xlane @p0 v37, v17  }
0x13f: {  	v33 =	vmin.f32 v54, v33;
	v57 =	vsel vm12, v34, v55;
	v38 =	vperm.xlane @p0 v38, v17;
	v40, v41, _ =	vpop @p0 (xrf1)  }
0x140: {  	v34 =	vsel vm12, v55, v34;
	(xrf1) =	vsort.ascd.msk.f32 $0xffff, v56, v57;
	vm0 =	vle.f32 @p0 v40, v37  }
0x141: {  	(xrf1) =	vsort.ascd.msk.f32 $0xffff, v33, v34;
	v33 =	vmax.f32 @p0 v40, v37;
	v34 =	vsel @p0 vm0, v38, v41  }
0x142: {  	(xrf1) =	vsort.ascd.msk.f32 @p0 $0xffff, v33, v34  }
0x143: {  	v33 =	vmin.f32 @p0 v40, v37;
	v34 =	vsel @p0 vm0, v41, v38  }
0x144: {  	(xrf1) =	vsort.ascd.msk.f32 @p0 $0xffff, v33, v34;
	_ =	sdelay $0x9  }
0x145: {  	v33, v34, _ =	vpop (xrf1)  }
0x146: {  	v59, v58, _ =	vpop (xrf1)  }
0x147: {  	v35 =	vperm.xlane v59, v17;
	v37, v38, _ =	vpop @p0 (xrf1)  }
0x148: {  	v33 =	vperm.xlane v33, v17;
	v36 =	vperm.xlane v58, v17;
	v29 =	vpsel p0, v37, v29  }
0x149: {  	v34 =	vperm.xlane v34, v17;
	v37, v39, _ =	vpop @p0 (xrf1);
	v60 =	vpsel p0, v38, v32;
	vm13 =	vle.f32 v29, v35  }
0x14a: {  	v29 =	vmin.f32 v29, v35;
	v30 =	vpsel p0, v37, v30;
	v32 =	vsel vm13, v60, v36  }
0x14b: {  	vm14 =	vle.f32 v30, v33;
	(xrf1) =	vsort.ascd.msk.f32 $0xffff, v29, v32;
	v29 =	vpsel p0, v39, v31  }
0x14c: {  	v30 =	vmin.f32 v30, v33;
	v29 =	vsel vm14, v29, v34  }
0x14d: {  	(xrf1) =	vsort.ascd.msk.f32 $0xffff, v30, v29;
	_ =	sdelay $0xb  }
0x14e: {  	v29, v30, _ =	vpop (xrf1)  }
0x14f: {  	v29 =	vperm.xlane v29, v17  }
0x150: {  	v30 =	vperm.xlane v30, v17;
	v31, v61, _ =	vpop (xrf1)  }
0x151: {  	vm15 =	vle.f32 v31, v29  }
0x152: {  	v62 =	vmax.f32 v31, v29;
	v63 =	vsel vm15, v30, v61  }
0x153: {  	v29 =	vmin.f32 v31, v29;
	v30 =	vsel vm15, v61, v30;
	(xrf1) =	vsort.ascd.msk.f32 $0xffff, v62, v63  }
0x154: {  	(xrf1) =	vsort.ascd.msk.f32 $0xffff, v29, v30;
	_ =	sdelay $0xc  }
0x155: {  	v29, v32, _ =	vpop (xrf1)  }
0x156: {  	v30, v31, _ =	vpop (xrf1)  }
.LBB2_12:
0x157: {  	[tilespmem:$0x10300] =	vst v31  }
0x158: {  	[tilespmem:$0x10310] =	vst v32  }
0x159: {  	[tilespmem:$0x19380] =	vst v30  }
0x15a: {  	[tilespmem:$0x19390] =	vst v29  }
0x15b: {  	v31 =	vld.idx.msk [tilespmem:v1+s17+$0x0], $0xffff  }
0x15c: {  	v32 =	vld.idx.msk [tilespmem:v18+s17+$0x0], $0xffff;
	_ =	sdelay $0x3  }
0x15d: {  	vm0 =	veq.f32 v31, v30  }
0x15e: {  	vm15 =	veq.f32 v32, v29;
	v30 =	vnsel vm0, $0x0, v2  }
0x15f: {  	(xrf0) =	vmax.scan.msk.f32 $0xffff, v30;
	v30 =	vsel vm15, $0x3F800000, v19  }
0x160: {  	(xrf0) =	vmax.scan.msk.f32 $0xffff, v30;
	_ =	sdelay $0x4  }
0x161: {  	v30, _, _ =	vpop (xrf0)  }
0x162: {  	(v2sf) =	vpush v30, $0xF;
	v30, _, _ =	vpop (xrf0)  }
0x163: {  	(v2sf) =	vpush v30, $0xF;
	_ =	sdelay $0xa  }
0x164: {  	s5 =	sadd.s32 $0xF, s25  }
0x165: {  	s25 =	sshrl.u32 s5, $0x4  }
0x166: {  	p0 =	seq.s32 s25, $0x0  }
.Ltmp10:
0x167: {  	s0 =	spop (v2sf);
	(pc) =	sbr.rel @p0 .LBB2_50-.Ltmp10, $4  }
0x168: {  	s2 =	spop (v2sf)  }
0x169: {  	p1 =	sgt.f32 s0, $0.0e+00;
	s0 =	simm.s32 @!p0 $0x0;
	p2 =	sgt.f32 s2, $0.0e+00  }
0x16a: {  	s0 =	simm.s32 @p0 $0x1  }
0x16b: {  	[smem:$0x7FD] =	sst s0;
	p1 =	por p1, p2  }
0x16c: {  	(xrf0) =	vmax.scan.msk.f32 $0xffff, v29;
	_ =	sdelay $0x1  }
0x16d: {  	p2 =	sne.s32 s25, $0x1  }
.Ltmp11:
0x16e: {  	_ = 	snop;
	(pc) =	sbr.rel @!p2 .LBB2_14-.Ltmp11, $3  }
0x16f: {  	_ =	sdelay $0x1  }
0x170: {  	s28 =	simm.s32 $0x0;
	s0 =	simm.s32 $0xE280;
	s26 =	sadd.s32 $0xFFFFFFFF, s25;
	v29, _, _ =	vpop (xrf0)  }
0x171: {  	p3 =	por $0x0, $0x0;
	p4 =	por $0x0, $0x0;
	p5 =	por $0x0, $0x0;
	v30 =	vld [tilespmem:s0+$0x0];
	v29 =	vbroadcast v29, $0xF  }
0x172: {  	_ =	sdelay $0x3  }
0x173: {  	p6 =	sne.s32 s26, $0x1  }
.Ltmp12:
0x174: {  	_ = 	snop;
	(pc) =	sbr.rel @!p6 .LBB2_16-.Ltmp12, $3  }
0x175: {  	_ =	sdelay $0x1  }
0x176: {  	s0 =	simm.s32 $0xE290;
	v31 =	vld.idx.msk [tilespmem:v30+s16+$0x0], $0xffff  }
0x177: {  	p3 =	por $0x1, $0x1;
	v30 =	vld [tilespmem:s0+$0x0];
	s0 =	sadd.s32 $0xFFFFFFFF, s26  }
0x178: {  	_ =	sdelay $0x2  }
0x179: {  	vm0 =	vle.f32 v31, v29  }
0x17a: {  	v32 =	vmpcnt.ones.xlane vm0;
	_ =	sdelay $0x1  }
0x17b: {  	(v2sf) =	vpush v32, $0x0;
	_ =	sdelay $0x4  }
0x17c: {  	p6 =	sne.s32 s0, $0x1  }
.Ltmp13:
0x17d: {  	_ = 	snop;
	(pc) =	sbr.rel @!p6 .LBB2_18-.Ltmp13, $3  }
0x17e: {  	_ =	sdelay $0x1  }
0x17f: {  	s2 =	simm.s32 $0xE2A0;
	v31 =	vld.idx.msk [tilespmem:v30+s16+$0x0], $0xffff  }
0x180: {  	s0 =	sadd.s32 $0xFFFFFFFF, s0;
	p4 =	por $0x1, $0x1;
	v30 =	vld [tilespmem:s2+$0x0]  }
0x181: {  	_ =	sdelay $0x2  }
0x182: {  	vm0 =	vle.f32 v31, v29  }
0x183: {  	v32 =	vmpcnt.ones.xlane vm0;
	_ =	sdelay $0x1  }
0x184: {  	(v2sf) =	vpush v32, $0x0  }
0x185: {  	p6 =	sne.s32 s0, $0x1  }
.Ltmp14:
0x186: {  	_ = 	snop;
	(pc) =	sbr.rel @!p6 .LBB2_20-.Ltmp14, $3  }
0x187: {  	_ =	sdelay $0x1  }
0x188: {  	s2 =	simm.s32 $0xE2B0;
	v31 =	vld.idx.msk [tilespmem:v30+s16+$0x0], $0xffff  }
0x189: {  	s5 =	sadd.s32 $0xFFFFFFFF, s0;
	p5 =	por $0x1, $0x1;
	s0 =	simm.s32 $0x0;
	v30 =	vld [tilespmem:s2+$0x0]  }
.LBB2_21:
0x18a: {  	p6 =	sne.s32 s5, $0x1;
	_ =	sdelay $0x3  }
.Ltmp15:
0x18b: {  	vm0 =	vle.f32 v31, v29;
	s22 =	spop (v2sf);
	(pc) =	sbr.rel @p6 .LBB2_21-.Ltmp15, $3  }
0x18c: {  	v32 =	vmpcnt.ones.xlane vm0;
	s0 =	sadd.s32 s0, s22;
	_ =	sdelay $0x1  }
0x18d: {  	s2 =	sadd.s32 $0x10, s2;
	v31 =	vld.idx.msk [tilespmem:v30+s16+$0x0], $0xffff;
	(v2sf) =	vpush v32, $0x0  }
0x18e: {  	s5 =	sadd.s32 $0xFFFFFFFF, s5;
	v30 =	vld [tilespmem:s2+$0x0]  }
.LBB2_22:
0x18f: {  	_ =	sdelay $0x7  }
0x190: {  	v30 =	vld.idx.msk [tilespmem:v30+s16+$0x0], $0xffff;
	_ =	sdelay $0x2  }
0x191: {  	vm0 =	vle.f32 @p3 v31, v29  }
0x192: {  	v31 =	vmpcnt.ones.xlane @p3 vm0  }
0x193: {  	vm15 =	vle.f32 v30, v29  }
0x194: {  	(v2sf) =	vpush @p3 v31, $0x0;
	v29 =	vmpcnt.ones.xlane vm15;
	_ =	sdelay $0x1  }
0x195: {  	(v2sf) =	vpush v29, $0x0;
	_ =	sdelay $0x8  }
0x196: {  	s2 =	spop @p5 (v2sf)  }
0x197: {  	s0 =	sadd.s32 @p5 s0, s2;
	s2 =	simm.s32 $0x0  }
0x198: {  	s2 =	smov.u32 @p5 s0;
	s0 =	spop @p4 (v2sf)  }
0x199: {  	s0 =	sadd.s32 @p4 s2, s0;
	s2 =	simm.s32 $0x0  }
0x19a: {  	s2 =	smov.u32 @p4 s0;
	s0 =	spop @p3 (v2sf)  }
0x19b: {  	s0 =	sadd.s32 @p3 s2, s0  }
0x19c: {  	s28 =	smov.u32 @p3 s0;
	s31 =	spop (v2sf)  }
0x19d: {  	s0 =	sadd.s32 s28, s31  }
0x19e: {  	p6 =	sgt.s32 s0, $0x20  }
0x19f: {  	p1 =	por p1, p6  }
.Ltmp16:
0x1a0: {  	_ = 	snop;
	(pc) =	sbr.rel @!p1 .LBB2_47-.Ltmp16, $1  }
0x1a1: {  	_ =	sdelay $0x3  }
.Ltmp17:
0x1a2: {  	(pc) =	sbr.rel @!p2 .LBB2_24-.Ltmp17, $3  }
0x1a3: {  	_ =	sdelay $0x1  }
0x1a4: {  	s2 =	simm.s32 $0xE280  }
0x1a5: {  	s0 =	simm.s32 $0x19400;
	p1 =	por $0x0, $0x0;
	v29 =	vld [tilespmem:s2+$0x0]  }
0x1a6: {  	_ =	sdelay $0x7  }
0x1a7: {  	v29 =	vld.idx.msk [tilespmem:v29+s16+$0x0], $0xffff  }
0x1a8: {  	p2 =	sne.s32 s26, $0x1  }
.Ltmp18:
0x1a9: {  	_ = 	snop;
	(pc) =	sbr.rel @!p2 .LBB2_26-.Ltmp18, $3  }
0x1aa: {  	_ =	sdelay $0x1  }
0x1ab: {  	s5 =	simm.s32 $0xE290;
	[tilespmem:s0+$0x0] =	vst v29  }
0x1ac: {  	s22 =	sadd.s32 $0xFFFFFFFF, s26;
	p1 =	por $0x1, $0x1;
	s2 =	simm.s32 $0x19400;
	v29 =	vld [tilespmem:s5+$0x0]  }
.LBB2_27:
0x1ad: {  	p2 =	sne.s32 s22, $0x1;
	_ =	sdelay $0x6  }
0x1ae: {  	v29 =	vld.idx.msk [tilespmem:v29+s16+$0x0], $0xffff;
	_ =	sdelay $0x2  }
.Ltmp19:
0x1af: {  	(pc) =	sbr.rel @p2 .LBB2_27-.Ltmp19, $4  }
0x1b0: {  	_ = 	snop  }
0x1b1: {  	s2 =	sadd.s32 $0x10, s2  }
0x1b2: {  	s5 =	sadd.s32 $0x10, s5;
	[tilespmem:s2+$0x0] =	vst v29  }
0x1b3: {  	s22 =	sadd.s32 $0xFFFFFFFF, s22;
	v29 =	vld [tilespmem:s5+$0x0]  }
.LBB2_28:
0x1b4: {  	_ =	sdelay $0x7  }
0x1b5: {  	v29 =	vld.idx.msk [tilespmem:v29+s16+$0x0], $0xffff  }
.Ltmp20:
0x1b6: {  	_ = 	snop;
	(pc) =	sbr.rel .LBB2_29-.Ltmp20, $4  }
0x1b7: {  	_ = 	snop  }
0x1b8: {  	s2 =	sadd.s32 @p1 $0x10, s2  }
0x1b9: {  	s0 =	smov.u32 @p1 s2  }
0x1ba: {  	[tilespmem:s0+$0x0] =	vst v29  }
.LBB2_50:
.Ltmp21:
0x1bb: {  	(pc) =	sbr.rel @!p1 .LBB2_47-.Ltmp21, $1  }
0x1bc: {  	_ =	sdelay $0x3  }
.LBB2_29:
.Ltmp22:
0x1bd: {  	(pc) =	sbr.rel .LBB2_30-.Ltmp22, $2  }
0x1be: {  	_ =	sdelay $0x2  }
0x1bf: {  	s26 =	simm.s32 $0x0  }
.LBB2_51:
0x1c0: {  	s28 =	simm.s32 $0x40000000  }
.LBB2_46:
0x1c1: {  	v29 =	vmov s28;
	_ =	sdelay $0x4  }
0x1c2: {  	v31 =	vmov s26;
	s26 =	sadd.s32 $0x1, s26;
	v30 =	vld.idx.msk [tilespmem:v29+s18+$0x0], $0xffff  }
0x1c3: {  	p0 =	sne.s32 s26, $0x20  }
.Ltmp23:
0x1c4: {  	_ = 	snop;
	(pc) =	sbr.rel @!p0 .LBB2_47-.Ltmp23, $3  }
0x1c5: {  	_ =	sdelay $0x1  }
0x1c6: {  	[tilespmem:v31+s19+$0x0] =	vst.idx.msk $0xffff, v30  }
0x1c7: {  	[tilespmem:v29+s20+$0x0] =	vst.idx.msk $0xffff, v0  }
.LBB2_30:
0x1c8: {  	s0 =	sld [smem:$0x7FD];
	_ =	sdelay $0x2  }
0x1c9: {  	p0 =	seq.s32 s0, $0x1  }
.Ltmp24:
0x1ca: {  	_ = 	snop;
	(pc) =	sbr.rel @p0 .LBB2_51-.Ltmp24, $1  }
0x1cb: {  	_ =	sdelay $0x3  }
0x1cc: {  	p5 =	sne.s32 s25, $0x1  }
.Ltmp25:
0x1cd: {  	_ = 	snop;
	(pc) =	sbr.rel @!p5 .LBB2_33-.Ltmp25, $3  }
0x1ce: {  	_ =	sdelay $0x1  }
0x1cf: {  	s0 =	simm.s32 $0x19400  }
0x1d0: {  	v29 =	vimm.f32 $+Inf;
	s2 =	sadd.s32 $0xFFFFFFFF, s25;
	v30 =	vld [tilespmem:s0+$0x0]  }
.LBB2_32:
0x1d1: {  	p1 =	sne.s32 s2, $0x1  }
.Ltmp26:
0x1d2: {  	_ = 	snop;
	(pc) =	sbr.rel @p1 .LBB2_32-.Ltmp26, $3  }
0x1d3: {  	_ =	sdelay $0x1  }
0x1d4: {  	s2 =	sadd.s32 $0xFFFFFFFF, s2;
	s0 =	sadd.s32 $0x10, s0;
	v29 =	vmin.f32 v29, v30  }
0x1d5: {  	v30 =	vld [tilespmem:s0+$0x0]  }
.LBB2_33:
0x1d6: {  	_ =	sdelay $0x3  }
0x1d7: {  	v29 =	vmin.f32 v29, v30  }
0x1d8: {  	(xrf0) =	vmin.scan.msk.f32 $0xffff, v29;
	_ =	sdelay $0x2  }
0x1d9: {  	s0 =	simm.s32 $0x19400  }
0x1da: {  	v29 =	vld [tilespmem:s0+$0x0]  }
.Ltmp27:
0x1db: {  	_ = 	snop;
	(pc) =	sbr.rel @!p5 .LBB2_34-.Ltmp27, $4  }
0x1dc: {  	v30, _, _ =	vpop (xrf0)  }
0x1dd: {  	s28 =	simm.s32 $0x40000000;
	s29 =	simm.s32 $0x0;
	v30 =	vbroadcast v30, $0xF  }
0x1de: {  	s2 =	simm.s32 $0x19410;
	p1 =	por $0x0, $0x0;
	p2 =	por $0x0, $0x0  }
0x1df: {  	p3 =	por $0x0, $0x0;
	p4 =	por $0x0, $0x0;
	s0 =	sadd.s32 $0xFFFFFFFF, s25;
	vm0 =	veq.f32 v29, v30  }
0x1e0: {  	v29 =	vld [tilespmem:s2+$0x0];
	p5 =	sne.s32 s0, $0x1  }
.Ltmp28:
0x1e1: {  	_ = 	snop;
	(pc) =	sbr.rel @!p5 .LBB2_36-.Ltmp28, $3  }
0x1e2: {  	_ =	sdelay $0x1  }
0x1e3: {  	v31 =	vsel vm0, $0x3F800000, v19  }
0x1e4: {  	s0 =	sadd.s32 $0xFFFFFFFF, s0;
	s2 =	simm.s32 $0x19420;
	p1 =	por $0x1, $0x1;
	(xrf0) =	vmax.scan.msk.f32 $0xffff, v31;
	vm1 =	veq.f32 v29, v30;
	v29 =	vmctz.xlane vm0  }
0x1e5: {  	_ = 	snop  }
0x1e6: {  	v31 =	vld [tilespmem:s2+$0x0];
	p5 =	sne.s32 s0, $0x1  }
.Ltmp29:
0x1e7: {  	_ = 	snop;
	(pc) =	sbr.rel @!p5 .LBB2_38-.Ltmp29, $3  }
0x1e8: {  	_ =	sdelay $0x1  }
0x1e9: {  	v32 =	vsel vm1, $0x3F800000, v19;
	(v2sf) =	vpush v29, $0x0;
	v33, _, _ =	vpop (xrf0)  }
0x1ea: {  	s0 =	sadd.s32 $0xFFFFFFFF, s0;
	s2 =	simm.s32 $0x19430;
	p2 =	por $0x1, $0x1;
	v29 =	vmctz.xlane vm1;
	(xrf0) =	vmax.scan.msk.f32 $0xffff, v32;
	vm0 =	veq.f32 v31, v30;
	(v2sf) =	vpush v33, $0xF  }
0x1eb: {  	_ =	sdelay $0x4  }
0x1ec: {  	(v2sf) =	vpush v29, $0x0;
	v33, _, _ =	vpop (xrf0)  }
0x1ed: {  	(v2sf) =	vpush v33, $0xF;
	_ =	sdelay $0x3  }
0x1ee: {  	v31 =	vld [tilespmem:s2+$0x0];
	p5 =	sne.s32 s0, $0x1  }
.Ltmp30:
0x1ef: {  	_ = 	snop;
	(pc) =	sbr.rel @!p5 .LBB2_40-.Ltmp30, $3  }
0x1f0: {  	_ =	sdelay $0x1  }
0x1f1: {  	v32 =	vsel vm0, $0x3F800000, v19  }
0x1f2: {  	s0 =	sadd.s32 $0xFFFFFFFF, s0;
	s2 =	simm.s32 $0x19440;
	p3 =	por $0x1, $0x1;
	v29 =	vmctz.xlane vm0;
	(xrf0) =	vmax.scan.msk.f32 $0xffff, v32;
	vm1 =	veq.f32 v31, v30  }
0x1f3: {  	_ =	sdelay $0x4  }
0x1f4: {  	(v2sf) =	vpush v29, $0x0;
	v29, _, _ =	vpop (xrf0)  }
0x1f5: {  	(v2sf) =	vpush v29, $0xF;
	_ =	sdelay $0x2  }
0x1f6: {  	v31 =	vld [tilespmem:s2+$0x0];
	p5 =	sne.s32 s0, $0x1;
	v32 =	vsel vm1, $0x3F800000, v19  }
.Ltmp31:
0x1f7: {  	(xrf0) =	vmax.scan.msk.f32 $0xffff, v32;
	(pc) =	sbr.rel @!p5 .LBB2_42-.Ltmp31, $4  }
0x1f8: {  	_ = 	snop  }
0x1f9: {  	s31 =	spop (v2sf)  }
0x1fa: {  	s22 =	sadd.s32 $0xFFFFFFFF, s0;
	s5 =	simm.s32 $0x19450;
	p4 =	por $0x1, $0x1  }
0x1fb: {  	s30 =	simm.s32 $0x0;
	s2 =	simm.s32 $0x40000000;
	s0 =	spop (v2sf);
	vm0 =	veq.f32 v31, v30;
	v29 =	vmctz.xlane vm1  }
.LBB2_43:
0x1fc: {  	v31 =	vld [tilespmem:s5+$0x0];
	v33 =	vsel vm0, $0x3F800000, v19;
	p6 =	sgt.f32 s0, $0.0e+00;
	s0 =	sadd.s32 s30, s31;
	p5 =	sne.s32 s22, $0x1  }
.Ltmp32:
0x1fd: {  	s22 =	sadd.s32 $0xFFFFFFFF, s22;
	(xrf0) =	vmax.scan.msk.f32 $0xffff, v33;
	v32, _, _ =	vpop (xrf0);
	(v2sf) =	vpush v29, $0x0;
	p0 =	slt.s32 s2, s0;
	(pc) =	sbr.rel @p5 .LBB2_43-.Ltmp32, $4  }
0x1fe: {  	(v2sf) =	vpush v32, $0xF;
	s0 =	smov.u32 @p0 s2  }
0x1ff: {  	s2 =	smov.u32 @p6 s0  }
0x200: {  	s31 =	spop (v2sf);
	_ =	sdelay $0x1  }
0x201: {  	s5 =	sadd.s32 $0x10, s5;
	s30 =	sadd.s32 $0x10, s30;
	v29 =	vmctz.xlane vm0;
	vm0 =	veq.f32 v31, v30;
	s0 =	spop (v2sf)  }
0x202: {  	_ = 	snop  }
.LBB2_45:
0x203: {  	s5 =	sadd.s32 @p4 s30, s31  }
0x204: {  	p0 =	sgt.f32 @p4 s0, $0.0e+00;
	v30, _, _ =	vpop @p1 (xrf0);
	(v2sf) =	vpush @p1 v29, $0x0;
	p5 =	slt.s32 @p4 s2, s5  }
0x205: {  	s0 =	smov.u32 s2;
	v29 =	vsel vm0, $0x3F800000, v19;
	s22 =	sadd.s32 @p4 $0x10, s30;
	(v2sf) =	vpush @p1 v30, $0xF;
	p5 =	por !p5, !p4  }
0x206: {  	s30 =	simm.s32 $0x0;
	(xrf0) =	vmax.scan.msk.f32 $0xffff, v29;
	p0 =	por !p0, !p4;
	s0 =	smov.u32 @p5 s5  }
0x207: {  	s30 =	smov.u32 @p4 s22;
	s0 =	smov.u32 @p0 s2;
	s2 =	spop @p3 (v2sf)  }
0x208: {  	s22 =	simm.s32 $0x40000000;
	s5 =	spop @p3 (v2sf);
	s2 =	smov.u32 @p3 s2  }
0x209: {  	v29 =	vmctz.xlane vm0;
	s22 =	smov.u32 @p4 s0;
	s5 =	smov.u32 @p3 s5;
	s0 =	sadd.s32 @p3 s30, s2  }
0x20a: {  	p0 =	sgt.f32 @p3 s5, $0.0e+00;
	p4 =	slt.s32 @p3 s22, s0  }
0x20b: {  	(v2sf) =	vpush v29, $0x0;
	s2 =	smov.u32 s22;
	p4 =	por !p4, !p3  }
0x20c: {  	v30, _, _ =	vpop (xrf0);
	s2 =	smov.u32 @p4 s0;
	p0 =	por !p0, !p3  }
0x20d: {  	s0 =	spop @p2 (v2sf);
	(v2sf) =	vpush v30, $0xF;
	s2 =	smov.u32 @p0 s22  }
0x20e: {  	s5 =	spop @p2 (v2sf);
	s22 =	sadd.s32 @p3 $0x10, s30;
	s30 =	simm.s32 $0x0  }
0x20f: {  	s0 =	smov.u32 @p2 s0;
	s30 =	smov.u32 @p3 s22;
	s22 =	simm.s32 $0x40000000  }
0x210: {  	s5 =	smov.u32 @p2 s5;
	s22 =	smov.u32 @p3 s2;
	s0 =	sadd.s32 @p2 s30, s0  }
0x211: {  	p0 =	sgt.f32 @p2 s5, $0.0e+00;
	p3 =	slt.s32 @p2 s22, s0  }
0x212: {  	s2 =	smov.u32 s22;
	p3 =	por !p3, !p2  }
0x213: {  	p0 =	por !p0, !p2;
	s2 =	smov.u32 @p3 s0;
	s0 =	spop @p1 (v2sf)  }
0x214: {  	s2 =	smov.u32 @p0 s22;
	s5 =	spop @p1 (v2sf)  }
0x215: {  	s22 =	sadd.s32 @p2 $0x10, s30;
	s30 =	simm.s32 $0x0;
	s0 =	smov.u32 @p1 s0  }
0x216: {  	s30 =	smov.u32 @p2 s22;
	s22 =	simm.s32 $0x40000000;
	s5 =	smov.u32 @p1 s5  }
0x217: {  	s22 =	smov.u32 @p2 s2;
	s0 =	sadd.s32 @p1 s30, s0;
	p0 =	sgt.f32 @p1 s5, $0.0e+00  }
0x218: {  	p2 =	slt.s32 @p1 s22, s0  }
0x219: {  	s2 =	smov.u32 s22;
	p2 =	por !p2, !p1;
	p0 =	por !p0, !p1  }
0x21a: {  	s2 =	smov.u32 @p2 s0;
	s0 =	sadd.s32 @p1 $0x10, s30;
	s30 =	spop (v2sf)  }
.Ltmp33:
0x21b: {  	s2 =	smov.u32 @p0 s22;
	s29 =	smov.u32 @p1 s0;
	(pc) =	sbr.rel .LBB2_46-.Ltmp33, $4  }
0x21c: {  	s28 =	smov.u32 @p1 s2;
	s2 =	sadd.s32 s29, s30;
	s31 =	spop (v2sf)  }
0x21d: {  	p1 =	slt.s32 s28, s2;
	p0 =	sgt.f32 s31, $0.0e+00  }
0x21e: {  	s2 =	smov.u32 @p1 s28  }
0x21f: {  	s28 =	smov.u32 @p0 s2  }
.LBB2_34:
.Ltmp34:
0x220: {  	(pc) =	sbr.rel .LBB2_45-.Ltmp34, $2  }
0x221: {  	_ =	sdelay $0x2  }
0x222: {  	s30 =	simm.s32 $0x0;
	s2 =	simm.s32 $0x40000000  }
.LBB2_36:
.Ltmp35:
0x223: {  	(pc) =	sbr.rel .LBB2_45-.Ltmp35, $2  }
0x224: {  	_ =	sdelay $0x2  }
0x225: {  	vm0 =	vmmov vm1;
	s30 =	simm.s32 $0x0;
	s2 =	simm.s32 $0x40000000  }
.LBB2_38:
.Ltmp36:
0x226: {  	(pc) =	sbr.rel .LBB2_45-.Ltmp36, $2  }
0x227: {  	_ =	sdelay $0x2  }
0x228: {  	s30 =	simm.s32 $0x0;
	s2 =	simm.s32 $0x40000000  }
.LBB2_40:
.Ltmp37:
0x229: {  	(pc) =	sbr.rel .LBB2_45-.Ltmp37, $2  }
0x22a: {  	_ =	sdelay $0x2  }
0x22b: {  	vm0 =	vmmov vm1;
	s30 =	simm.s32 $0x0;
	s2 =	simm.s32 $0x40000000  }
.LBB2_42:
.Ltmp38:
0x22c: {  	(pc) =	sbr.rel .LBB2_45-.Ltmp38, $2  }
0x22d: {  	_ =	sdelay $0x2  }
0x22e: {  	s30 =	simm.s32 $0x0;
	s2 =	simm.s32 $0x40000000  }
.LBB2_14:
.Ltmp39:
0x22f: {  	(pc) =	sbr.rel .LBB2_22-.Ltmp39, $2  }
0x230: {  	_ =	sdelay $0x2  }
0x231: {  	s0 =	simm.s32 $0x0  }
.LBB2_16:
.Ltmp40:
0x232: {  	(pc) =	sbr.rel .LBB2_22-.Ltmp40, $2  }
0x233: {  	_ =	sdelay $0x2  }
0x234: {  	s0 =	simm.s32 $0x0  }
.LBB2_18:
.Ltmp41:
0x235: {  	(pc) =	sbr.rel .LBB2_22-.Ltmp41, $2  }
0x236: {  	_ =	sdelay $0x2  }
0x237: {  	s0 =	simm.s32 $0x0  }
.LBB2_20:
.Ltmp42:
0x238: {  	(pc) =	sbr.rel .LBB2_22-.Ltmp42, $2  }
0x239: {  	_ =	sdelay $0x2  }
0x23a: {  	s0 =	simm.s32 $0x0  }
.LBB2_6:
.Ltmp43:
0x23b: {  	(pc) =	sbr.rel .LBB2_11-.Ltmp43, $2  }
0x23c: {  	_ =	sdelay $0x2  }
0x23d: {  	_ = 	snop  }
.LBB2_8:
.Ltmp44:
0x23e: {  	(pc) =	sbr.rel .LBB2_11-.Ltmp44, $2  }
0x23f: {  	_ =	sdelay $0x2  }
0x240: {  	_ = 	snop  }
.LBB2_24:
.Ltmp45:
0x241: {  	(pc) =	sbr.rel .LBB2_28-.Ltmp45, $2  }
0x242: {  	_ =	sdelay $0x2  }
0x243: {  	s2 =	simm.s32 $0x19400  }
.LBB2_26:
.Ltmp46:
0x244: {  	(pc) =	sbr.rel .LBB2_28-.Ltmp46, $2  }
0x245: {  	_ =	sdelay $0x2  }
0x246: {  	s2 =	simm.s32 $0x19400  }
.LBB2_49:
0x247: {  	_ =	sfence.sel $0x180000  }
0x248: {  	[bflag:$0x0] =	sbarrier.arrive $0xFFFF  }
0x249: {  	_ =	strace $0x9000004A  }
0x24a: {  	s0 =	stileid.u32;
	[bflag:$0x2] =	sbarrier.arrive $0xFFFF  }
0x24b: {  	p0 =	sne.s32 s0, $0x0;
	s0 =	rddreg [dreg:$0x3]  }
0x24c: {  	s0 =	sadd.s32 @!p0 $0x100000, s0  }
0x24d: {  	[sflag:s0] =	ssyncadd.tile.s32 @!p0 $0x1;
	_ =	shalt  }
.Lfunc_end2:
_tile_overlayer_lowered:
.L_overlay_start_2:
0x24e: {  	(tag) =	ssettag $0x2  }
0x24f: {  	s0 =	rddreg [dreg:$0x0];
	s2 =	stileid.u32  }
0x250: {  	s1 =	rddreg [dreg:$0x1];
	p0 =	sne.s32 s2, $0x0  }
0x251: {  	s3 =	rddreg [dreg:$0x2];
	[bflag:$0x3] =	sbarrier.arrive $0xFFFF;
	s2 =	simm.s32 @!p0 $0x1C01  }
0x252: {  	[timem:s3], [sflag:s2] =	dma.local @!p0 [hbm:s0], s1  }
0x253: {  	s0 =	simm.s32 @!p0 $0x1  }
0x254: {  	_ =	swait.ge @!p0 [sflag:s0], s1  }
0x255: {  	s1 =	ssub.s32 @!p0 $0x0, s1;
	[sflag:s0] =	ssyncset.done @!p0 $0x0  }
0x256: {  	[sflag:s0] =	ssyncadd.s32 @!p0 s1  }
0x257: {  	[bflag:$0x3] =	sbarrier.arrive $0xFFFF  }
0x258: {  	_ =	shalt  }

// kernel: sparse-core-data-format-call.cloned.1.call-start
scs
called_computation_lowered:
.L_overlay_start_0:
0x0: {  	s1 =	sld [smem:$0x3FD9]  }
0x1: {  	s2 =	sld [smem:$0x3FFE];
	_ =	sdelay $0x1  }
0x2: {  	s3 =	srdreg.scid  }
0x3: {  	s0 =	sand.u32 $0x1, s3  }
0x4: {  	s17 =	sshll.u32 s0, $0xA;
	s1 =	sadd.s32 s2, s1  }
0x5: {  	s1 =	sadd.s32 s1, s17  }
0x6: {  	[smem:$0x3FC6] =	sst s1  }
0x7: {  	_ = 	snop  }
0x8: {  	(tm) =	ssettm $0x1  }
0x9: {  	s18 =	sld [smem:$0x3FFB];
	_ =	sdelay $0x3  }
0xa: {  	_ =	strace s18  }
0xb: {  	s1 =	sld [smem:$0x3FFC];
	_ =	sdelay $0x3  }
0xc: {  	_ =	strace s1  }
0xd: {  	s1 =	sld [smem:$0x3FFD];
	_ =	sdelay $0x3  }
0xe: {  	_ =	strace s1  }
0xf: {  	_ =	strace $0x8FFFFFFF  }
0x10: {  	s19 =	sld [smem:$0x3FDB];
	_ =	sdelay $0x1  }
0x11: {  	s20 =	simm.s32 $_scs_section_size  }
0x12: {  	s4 =	simm.s32 $_size__tile_overlayer_lowered;
	s5 =	simm.s32 $_tile_overlayer_lowered  }
0x13: {  	s23 =	simm.s32 $0x1BFF;
	s22 =	sshll.u32 s5, $0x1;
	s1 =	sadd.s32 s20, s19  }
0x14: {  	s6 =	simm.s32 $0x0;
	s21 =	sshll.u32 s4, $0x1;
	s4 =	sadd.s32 s22, s1  }
0x15: {  	[timem:s6], [sflag:s23] =	dma.local [hbm:s4], s21  }
0x16: {  	_ =	swait.ge [sflag:s23], s21  }
0x17: {  	s2 =	ssub.s32 $0x0, s21;
	[sflag:s23] =	ssyncset.done $0x0  }
0x18: {  	[sflag:s23] =	ssyncadd.s32 s2;
	_ =	sdelay $0x1  }
0x19: {  	s24 =	simm.s32 $0x1B8B  }
0x1a: {  	_ =	swait.ge [sflag:s24], $0x1  }
0x1b: {  	[sflag:s24] =	ssyncset.done $0x0  }
0x1c: {  	s26 =	simm.s32 $0x1B8E;
	s25 =	sld [smem:$0x3FFE];
	[sflag:s24] =	ssyncadd.s32 $0xFFFFFFFF  }
0x1d: {  	s27 =	simm.s32 $execute0_lowered;
	[smem:$0x3FD2] =	sst s26  }
0x1e: {  	s4 =	sshll.u32 s27, $0x1;
	_ =	strace $0x80000046;
	[dreg:$0x1] =	wrdreg $0xFFFFFFFF  }
0x1f: {  	s28 =	simm.s32 $_size_execute0_lowered;
	s1 =	sadd.s32 s1, s4;
	[dreg:$0x0] =	wrdreg $0x0  }
0x20: {  	s4 =	sshll.u32 s28, $0x1;
	[dreg:$0x2] =	wrdreg s1  }
0x21: {  	[dreg:$0x3] =	wrdreg s4  }
0x22: {  	[dreg:$0x4] =	wrdreg $0xC0  }
0x23: {  	_ =	task [dreg:s6], $0x5FFFF  }
0x24: {  	[dreg:$0x1] =	wrdreg $0xFFFFFFFF  }
0x25: {  	[dreg:$0x0] =	wrdreg $0x60  }
0x26: {  	[dreg:$0x2] =	wrdreg s25  }
0x27: {  	[dreg:$0x3] =	wrdreg $0x9  }
0x28: {  	_ =	task.clear_ibuf [dreg:s6], $0x4FFFF;
	_ =	strace $0x90000046  }
0x29: {  	s29 =	simm.s32 $0x9;
	_ =	strace $0x80000048  }
0x2a: {  	_ =	swait.ge [sflag:s29], $0x1  }
0x2b: {  	[sflag:s29] =	ssyncadd.s32 $0xFFFFFFFF  }
0x2c: {  	_ =	strace $0x90000048  }
0x2d: {  	_ =	sfence  }
0x2e: {  	s30 =	sld [smem:$0x0];
	_ =	sdelay $0x2  }
0x2f: {  	s31 =	sshll.u32 s3, $0xD;
	s3 =	sshrl.u32 s3, $0x2  }
0x30: {  	s2 =	sand.u32 $0x4000, s31;
	s1 =	sadd.s32 s3, s30  }
0x31: {  	s0 =	sor.u32 s2, s0;
	s1 =	sshll.u32 s1, $0x11  }
0x32: {  	s0 =	sor.u32 s1, s0  }
0x33: {  	s0 =	sadd.s32 $0x8F2B, s0  }
0x34: {  	[sflag:s0] =	ssyncadd.remote.s32 $0x1  }
0x35: {  	_ =	sfence.sel $0xFFFF  }
0x36: {  	[dreg:$0x0] =	wrdreg $0xFFFFFFFF;
	(pc) =	sbr.abs _section_cstart, $3  }
0x37: {  	[dreg:$0x1] =	wrdreg $0xFFFFFFFF  }
0x38: {  	_ =	task.clear_ibuf [dreg:s6], $0x2FFFF;
	_ =	strace $0x9FFFFFFF  }
0x39: {  	(tm) =	ssettm $0x7FFFFFFF  }
tec
execute0_lowered:
.L_overlay_start_1:
0x0: {  	(tag) =	ssettag $0x1  }
0x1: {  	s1 =	rddreg [dreg:$0x0]  }
0x2: {  	s0 =	rddreg [dreg:$0x1]  }
0x3: {  	_ =	strace $0x80000047;
	s4 =	srdreg.scid;
	s6 =	simm.s32 $0x2  }
0x4: {  	s11 =	simm.s32 $0x0;
	p0 =	por $0x0, $0x0;
	s7 =	simm.s32 $0x2000  }
.Ltmp0:
0x5: {  	s12 =	simm.s32 $0x0;
	s9 =	simm.s32 $0x0;
	(pc) =	sbr.rel .LBB1_1-.Ltmp0, $4  }
0x6: {  	s2 =	sadd.s32 $0x11C00, s1;
	s3 =	sadd.s32 $0x411C00, s1;
	s5 =	sshll.u32 s4, $0x4  }
0x7: {  	s1 =	stileid.u32;
	s4 =	simm.s32 $0x1;
	s5 =	sand.u32 $0x10, s5  }
0x8: {  	s8 =	simm.s32 $0x0;
	[sflag:s4] =	ssyncpa.u1 $0x0;
	s5 =	sor.u32 s1, s5  }
0x9: {  	[sflag:s6] =	ssyncpa.u1 $0x0;
	s6 =	simm.s32 $0x800;
	s10 =	smov.u32 s5  }
.LBB1_7:
0xa: {  	s13 =	sadd.s32 $0x10, s9  }
0xb: {  	s11 =	sadd.s32 $0x20, s10;
	s15 =	smov.u32 s10;
	p2 =	sgt.s32 s13, $0x3F  }
0xc: {  	p1 =	slt.u32 s8, $0x2;
	s15 =	smov.u32 @p2 s11  }
0xd: {  	s8 =	sadd.s32 $0x1, s8;
	s13 =	simm.s32 @p2 $0x0;
	p2 =	sgt.s32 s15, $0x1FF  }
0xe: {  	s15 =	smov.u32 @p2 s5;
	p2 =	sne.s32 s8, $0x42  }
.Ltmp1:
0xf: {  	_ = 	snop;
	(pc) =	sbr.rel @!p2 .LBB1_8-.Ltmp1, $4  }
0x10: {  	s14 =	simm.s32 @!p1 $0x2  }
0x11: {  	s12 =	smov.u32 s10;
	_ =	swait.ge @!p1 [sflag:s14], $0x4000  }
0x12: {  	p0 =	por !p0, !p0;
	s11 =	smov.u32 s9;
	[sflag:s14] =	ssyncset.done @!p1 $0x0  }
0x13: {  	s9 =	smov.u32 s13;
	[sflag:s14] =	ssyncadd.s32 @!p1 $0xFFFFC000;
	s10 =	smov.u32 s15  }
.LBB1_1:
0x14: {  	p1 =	sgt.u32 s8, $0x3F  }
0x15: {  	s13 =	sxor.u32 @!p1 $0xFFFFFFFF, s8;
	s14 =	sshll.u32 @!p1 s10, $0xD  }
0x16: {  	s15 =	sshll.u32 @!p1 s9, $0x7;
	s13 =	sshll.u32 @!p1 s13, $0xE;
	s14 =	sadd.s32 @!p1 s2, s14  }
0x17: {  	s13 =	sand.u32 @!p1 $0x4000, s13;
	s14 =	sadd.s32 @!p1 s15, s14;
	s15 =	simm.s32 @!p1 $0x0  }
0x18: {  	[tilespmem:s13], [sflag:$0x1] =	stream.linear.gather @!p1 [hbm4b:s14+s15], $0x4000, $0x38;
	[tilespmem:$0x10000] =	vst v63  }
0x19: {  	p1 =	seq.s32 s8, $0x0  }
0x1a: {  	p2 =	seq.s32 @!p1 s8, $0x41  }
0x1b: {  	p1 =	por p1, p2  }
.Ltmp2:
0x1c: {  	_ = 	snop;
	(pc) =	sbr.rel @p1 .LBB1_7-.Ltmp2, $1  }
0x1d: {  	_ =	sdelay $0x3  }
0x1e: {  	s13 =	simm.s32 $0x1;
	_ =	swait.ge [sflag:s4], $0x4000;
	s16 =	sshll.u32 s8, $0xE  }
0x1f: {  	s13 =	simm.s32 @!p0 $0x0;
	[sflag:s4] =	ssyncset.done $0x0;
	s31 =	sand.u32 $0x4000, s16  }
0x20: {  	s16 =	simm.s32 $0x0;
	s14 =	sshll.u32 s13, $0xE;
	[sflag:s4] =	ssyncadd.s32 $0xFFFFC000  }
0x21: {  	s13 =	sor.u32 $0x8040, s14;
	s15 =	sor.u32 $0x40, s14;
	s14 =	sor.u32 $0x8000, s31  }
.LBB1_3:
0x22: {  	v0 =	vmov s15;
	_ =	sdelay $0x3  }
0x23: {  	s18 =	simm.s32 $0x0  }
0x24: {  	v6 =	vld.idx.msk [tilespmem:v0+s18+$0x30 ss:$0x1], $0xffff  }
0x25: {  	v7 =	vld.idx.msk [tilespmem:v0+s18+$0xFFFFFFC0 ss:$0x1], $0xffff  }
0x26: {  	v5 =	vld.idx.msk [tilespmem:v0+s18+$0xFFFFFFD0 ss:$0x1], $0xffff  }
0x27: {  	v4 =	vld.idx.msk [tilespmem:v0+s18+$0xFFFFFFE0 ss:$0x1], $0xffff  }
0x28: {  	v3 =	vld.idx.msk [tilespmem:v0+s18+$0xFFFFFFF0 ss:$0x1], $0xffff  }
0x29: {  	v1 =	vld.idx.msk [tilespmem:v0+s18+$0x0 ss:$0x1], $0xffff  }
0x2a: {  	v2 =	vld.idx.msk [tilespmem:v0+s18+$0x10 ss:$0x1], $0xffff;
	[tilespmem:s13+$0x30] =	vst v6  }
0x2b: {  	s17 =	simm.s32 $0x80;
	s19 =	simm.s32 $0x400;
	[tilespmem:s13+$0xFFFFFFC0] =	vst v7;
	v6 =	vld.idx.msk [tilespmem:v0+s18+$0x20 ss:$0x1], $0xffff;
	s18 =	smov.u32 s13  }
.LBB1_4:
0x2c: {  	p1 =	sne.s32 s19, $0xE00;
	v7 =	vld.idx.msk [tilespmem:v0+s17+$0x30 ss:$0x1], $0xffff;
	[tilespmem:s18+$0xFFFFFFD0] =	vst v5  }
0x2d: {  	v8 =	vld.idx.msk [tilespmem:v0+s17+$0xFFFFFFC0 ss:$0x1], $0xffff;
	[tilespmem:s18+$0xFFFFFFE0] =	vst v4  }
0x2e: {  	v5 =	vld.idx.msk [tilespmem:v0+s17+$0xFFFFFFD0 ss:$0x1], $0xffff;
	[tilespmem:s18+$0xFFFFFFF0] =	vst v3  }
.Ltmp3:
0x2f: {  	v4 =	vld.idx.msk [tilespmem:v0+s17+$0xFFFFFFE0 ss:$0x1], $0xffff;
	[tilespmem:s18+$0x0] =	vst v1;
	(pc) =	sbr.rel @p1 .LBB1_4-.Ltmp3, $4  }
0x30: {  	v3 =	vld.idx.msk [tilespmem:v0+s17+$0xFFFFFFF0 ss:$0x1], $0xffff;
	[tilespmem:s18+$0x10] =	vst v2  }
0x31: {  	v1 =	vld.idx.msk [tilespmem:v0+s17+$0x0 ss:$0x1], $0xffff;
	[tilespmem:s18+$0x20] =	vst v6;
	s18 =	sadd.s32 $0x800, s18  }
0x32: {  	v2 =	vld.idx.msk [tilespmem:v0+s17+$0x10 ss:$0x1], $0xffff;
	[tilespmem:s18+$0x30] =	vst v7  }
0x33: {  	[tilespmem:s18+$0xFFFFFFC0] =	vst v8;
	v6 =	vld.idx.msk [tilespmem:v0+s17+$0x20 ss:$0x1], $0xffff;
	s17 =	sshra.s32 s19, $0x2;
	s19 =	sadd.s32 $0x200, s19  }
0x34: {  	_ =	sdelay $0x2  }
0x35: {  	[tilespmem:s18+$0xFFFFFFD0] =	vst v5  }
0x36: {  	v56 =	vld.idx.msk [tilespmem:v0+s17+$0x30 ss:$0x1], $0xffff;
	[tilespmem:s18+$0xFFFFFFE0] =	vst v4  }
0x37: {  	v57 =	vld.idx.msk [tilespmem:v0+s17+$0xFFFFFFC0 ss:$0x1], $0xffff;
	[tilespmem:s18+$0xFFFFFFF0] =	vst v3  }
0x38: {  	v58 =	vld.idx.msk [tilespmem:v0+s17+$0xFFFFFFD0 ss:$0x1], $0xffff;
	[tilespmem:s18+$0x0] =	vst v1  }
0x39: {  	v59 =	vld.idx.msk [tilespmem:v0+s17+$0xFFFFFFE0 ss:$0x1], $0xffff;
	[tilespmem:s18+$0x10] =	vst v2  }
0x3a: {  	v60 =	vld.idx.msk [tilespmem:v0+s17+$0xFFFFFFF0 ss:$0x1], $0xffff;
	s31 =	sadd.s32 $0x800, s18;
	[tilespmem:s18+$0x20] =	vst v6  }
0x3b: {  	v61 =	vld.idx.msk [tilespmem:v0+s17+$0x0 ss:$0x1], $0xffff;
	[tilespmem:s31+$0x30] =	vst v56  }
0x3c: {  	v62 =	vld.idx.msk [tilespmem:v0+s17+$0x10 ss:$0x1], $0xffff;
	s16 =	sadd.s32 $0x1, s16;
	[tilespmem:s31+$0xFFFFFFC0] =	vst v57  }
0x3d: {  	v63 =	vld.idx.msk [tilespmem:v0+s17+$0x20 ss:$0x1], $0xffff;
	p1 =	sne.s32 s16, $0x10;
	[tilespmem:s31+$0xFFFFFFD0] =	vst v58  }
.Ltmp4:
0x3e: {  	[tilespmem:s31+$0xFFFFFFE0] =	vst v59;
	(pc) =	sbr.rel @p1 .LBB1_3-.Ltmp4, $4  }
0x3f: {  	[tilespmem:s31+$0xFFFFFFF0] =	vst v60  }
0x40: {  	[tilespmem:s31+$0x0] =	vst v61  }
0x41: {  	[tilespmem:s31+$0x10] =	vst v62  }
0x42: {  	s13 =	sadd.s32 $0x80, s13;
	s15 =	sadd.s32 $0x400, s15;
	[tilespmem:s31+$0x20] =	vst v63  }
.Ltmp5:
0x43: {  	(pc) =	sbr.rel .LBB1_7-.Ltmp5, $4  }
0x44: {  	s12 =	sshll.u32 s12, $0xD;
	s11 =	sshll.u32 s11, $0x4  }
0x45: {  	s11 =	sand.u32 $0x3F0, s11;
	s12 =	sadd.s32 s3, s12  }
0x46: {  	s11 =	sadd.s32 s11, s12  }
0x47: {  	[hbm4b:s11+s6] =	stream.strided.scatter [tilespmem:s14], [sflag:$0x2], $0x4000, s7, s6, $0x38;
	[tilespmem:$0x10000] =	vst v63  }
.LBB1_8:
0x48: {  	_ =	sfence.sel $0x180000  }
0x49: {  	s2 =	simm.s32 $0x1;
	[bflag:$0x0] =	sbarrier.arrive $0xFFFF  }
0x4a: {  	s31 =	simm.s32 $0x2;
	[sflag:s2] =	ssyncpa.u1 $0x1  }
0x4b: {  	[sflag:s31] =	ssyncpa.u1 $0x1  }
0x4c: {  	p0 =	sne.s32 s1, $0x0;
	_ =	strace $0x90000047  }
0x4d: {  	s0 =	sadd.s32 @!p0 $0x100000, s0;
	[bflag:$0x2] =	sbarrier.arrive $0xFFFF  }
0x4e: {  	[sflag:s0] =	ssyncadd.tile.s32 @!p0 $0x1;
	_ =	shalt  }
.Lfunc_end1:
_tile_overlayer_lowered:
.L_overlay_start_2:
0x4f: {  	(tag) =	ssettag $0x2  }
0x50: {  	s0 =	rddreg [dreg:$0x0];
	s2 =	stileid.u32  }
0x51: {  	s1 =	rddreg [dreg:$0x1];
	p0 =	sne.s32 s2, $0x0  }
0x52: {  	s3 =	rddreg [dreg:$0x2];
	[bflag:$0x3] =	sbarrier.arrive $0xFFFF;
	s2 =	simm.s32 @!p0 $0x1C01  }
0x53: {  	[timem:s3], [sflag:s2] =	dma.local @!p0 [hbm:s0], s1  }
0x54: {  	s0 =	simm.s32 @!p0 $0x1  }
0x55: {  	_ =	swait.ge @!p0 [sflag:s0], s1  }
0x56: {  	s1 =	ssub.s32 @!p0 $0x0, s1;
	[sflag:s0] =	ssyncset.done @!p0 $0x0  }
0x57: {  	[sflag:s0] =	ssyncadd.s32 @!p0 s1  }
0x58: {  	[bflag:$0x3] =	sbarrier.arrive $0xFFFF  }
0x59: {  	_ =	shalt  }

</sc_bundles>
